<compile_context>
chip_gen: v7x
topology: tpu7x:2x2x1
jax: 0.10.2.dev20260603
libtpu: 0.0.44.dev20260713+nightly
codegen_flags: <defaults>
</compile_context>

<pallas_src>
import functools

import jax
import jax.numpy as jnp
from jax import lax
from jax.experimental import pallas as pl
from jax.experimental.pallas import tpu as pltpu
from jax.experimental.pallas import tpu_sc as plsc

_NS, _L = 16, 16

_LN2 = 0.6931471805599453

_NBUF = 7
_RB = 4096


def _sc_gather(flat, icm, chw, hw, m_per_b):
    n = icm.shape[0] // 3
    ncores = 1
    nw = ncores * _NS
    npad = 4096
    pad_per = npad // nw

    mesh = plsc.VectorSubcoreMesh(
        core_axis_name="c", subcore_axis_name="s", num_cores=ncores)

    @functools.partial(
        pl.kernel,
        mesh=mesh,
        out_type=[
            jax.ShapeDtypeStruct((npad,), jnp.float32),
            jax.ShapeDtypeStruct((npad,), jnp.int32),
        ],
        scratch_types=[
            pltpu.VMEM((pad_per,), jnp.int32),
            pltpu.VMEM((pad_per,), jnp.int32),
            pltpu.VMEM((pad_per,), jnp.int32),
            pltpu.VMEM((pad_per,), jnp.int32),
            pltpu.VMEM((pad_per,), jnp.int32),
            pltpu.VMEM((pad_per,), jnp.float32),
            pltpu.SemaphoreType.DMA,
        ],
    )
    def gather_kernel(flat_hbm, icm_hbm,
                      pk_hbm, mk_hbm,
                      ind_v, cat_v, mask_v, idx_v, mko_v, val_v, sem):
        wid = lax.axis_index("s") * ncores + lax.axis_index("c")
        own = wid * pad_per
        start = pl.multiple_of(jnp.minimum(own, n - pad_per), 8)
        pltpu.sync_copy(icm_hbm.at[pl.ds(start, pad_per)], ind_v)
        pltpu.sync_copy(icm_hbm.at[pl.ds(n + start, pad_per)], cat_v)
        pltpu.sync_copy(icm_hbm.at[pl.ds(2 * n + start, pad_per)], mask_v)
        for k in range(pad_per // _L):
            off = k * _L
            j = off + lax.iota(jnp.int32, _L)
            g = start + j
            valid = g >= own
            iv = ind_v[pl.ds(off, _L)]
            cv = cat_v[pl.ds(off, _L)]
            mv = mask_v[pl.ds(off, _L)]
            bv = jnp.zeros((_L,), jnp.int32)
            for kk in range(1, n // m_per_b):
                bv = bv + jnp.where(g >= kk * m_per_b, 1, 0)
            idx_v[pl.ds(off, _L)] = jnp.where(
                valid, bv * chw + cv * hw + iv, 0)
            mko_v[pl.ds(off, _L)] = jnp.where(valid, mv, 0)
        pltpu.async_copy(flat_hbm.at[idx_v], val_v, sem).wait()
        pltpu.sync_copy(val_v, pk_hbm.at[pl.ds(own, pad_per)])
        pltpu.sync_copy(mko_v, mk_hbm.at[pl.ds(own, pad_per)])

    return gather_kernel(flat, icm)


def _neg_body(o_hbm, t_hbm, out_ref, obuf, tbuf, acc_ref, osem, tsem):
    i = pl.program_id(0)
    nstep = pl.num_programs(0)
    slot = i % _NBUF

    def _start(step, slot_):
        pltpu.make_async_copy(
            o_hbm.at[pl.ds(step * _RB, _RB)], obuf.at[slot_], osem.at[slot_]
        ).start()
        pltpu.make_async_copy(
            t_hbm.at[pl.ds(step * _RB, _RB)], tbuf.at[slot_], tsem.at[slot_]
        ).start()

    @pl.when(i == 0)
    def _prime():
        acc_ref[0] = 0.0
        for k in range(_NBUF):
            _start(k, k)

    pltpu.make_async_copy(
        o_hbm.at[pl.ds(i * _RB, _RB)], obuf.at[slot], osem.at[slot]
    ).wait()
    pltpu.make_async_copy(
        t_hbm.at[pl.ds(i * _RB, _RB)], tbuf.at[slot], tsem.at[slot]
    ).wait()

    o = obuf[slot]
    l = jnp.log2(jnp.maximum(1.0 - o, 0.0001))
    s = 1.0 - tbuf[slot]
    os2 = o * (s * s)
    acc_ref[0] += jnp.sum(l * (os2 * os2))

    nxt = i + _NBUF

    @pl.when(nxt < nstep)
    def _prefetch():
        _start(nxt, slot)

    @pl.when(i == nstep - 1)
    def _finish():
        out_ref[0] = acc_ref[0]


def _pos_body(pk_ref, mk_ref, neg_ref, out_ref):
    p = jnp.clip(pk_ref[...], 0.0001, 1.0 - 0.0001)
    m = lax.bitcast_convert_type(mk_ref[...], jnp.float32)
    omp = 1.0 - p
    pos = jnp.sum(jnp.log(p) * (omp * omp) * m)
    num_pos = jnp.sum(m)
    neg = neg_ref[0] * _LN2
    out_ref[0] = jnp.where(num_pos == 0.0, -neg, -(pos + neg) / num_pos)


def kernel(outx, target, ind, mask, cat):
    B, C, H, W = outx.shape
    M = ind.shape[1]
    hw = H * W
    chw = C * hw

    icm = jnp.concatenate(
        [ind, cat, lax.bitcast_convert_type(mask, jnp.int32)],
        axis=0).reshape(-1)
    peaks, maskp = _sc_gather(outx.reshape(-1), icm, chw, hw, M)

    rows = B * C * H
    grid = (rows // _RB,)

    out2d = outx.reshape(rows, W)
    tgt2d = target.reshape(rows, W)

    neg = pl.pallas_call(
        _neg_body,
        grid=grid,
        in_specs=[
            pl.BlockSpec(memory_space=pl.ANY),
            pl.BlockSpec(memory_space=pl.ANY),
        ],
        out_specs=pl.BlockSpec(memory_space=pltpu.SMEM),
        out_shape=jax.ShapeDtypeStruct((1,), jnp.float32),
        scratch_shapes=[
            pltpu.VMEM((_NBUF, _RB, W), jnp.float32),
            pltpu.VMEM((_NBUF, _RB, W), jnp.float32),
            pltpu.SMEM((1,), jnp.float32),
            pltpu.SemaphoreType.DMA((_NBUF,)),
            pltpu.SemaphoreType.DMA((_NBUF,)),
        ],
    )(out2d, tgt2d)

    npk = peaks.shape[0]
    res = pl.pallas_call(
        _pos_body,
        in_specs=[
            pl.BlockSpec((npk // 128, 128), lambda: (0, 0)),
            pl.BlockSpec((npk // 128, 128), lambda: (0, 0)),
            pl.BlockSpec(memory_space=pltpu.SMEM),
        ],
        out_specs=pl.BlockSpec(memory_space=pltpu.SMEM),
        out_shape=jax.ShapeDtypeStruct((1,), jnp.float32),
    )(peaks.reshape(npk // 128, 128), maskp.reshape(npk // 128, 128), neg)
    return res[0]

# --- scband reference (transcript-rebuilt; emitter-appended) ---
"""Pipeline reference for scband-fast-focal-loss-53644141527671 (READ-ONLY COPY).

The authoritative reference and input builder live on the scoring server;
editing this copy changes nothing except your own understanding.
"""

import jax, jax.numpy as jnp
import numpy as np


def setup_inputs(seed: int = 0) -> dict:
    key = jax.random.key(seed)
    k1, k2, k3, k4 = jax.random.split(key, 4)
    B, C, H, W, M = 8, 80, 128, 128, 500
    outx = jax.random.uniform(k1, (B, C, H, W), dtype=jnp.float32)
    target = jax.random.uniform(k2, (B, C, H, W), dtype=jnp.float32)
    ind = jax.random.randint(k3, (B, M), 0, H * W, dtype=jnp.int32)
    mask = jnp.ones((B, M), dtype=jnp.float32)
    cat = jax.random.randint(k4, (B, M), 0, C, dtype=jnp.int32)
    return {"outx": outx, "target": target, "ind": ind, "mask": mask, "cat": cat}


def reference(outx, target, ind, mask, cat):
    # out = clamp(outx, 1e-4, 1 - 1e-4)
    out = jnp.clip(outx, 0.0001, 1.0 - 0.0001)
    # negative loss over full heatmap
    gt = jnp.power(1.0 - target, 4)
    neg_loss = jnp.sum(jnp.log(1.0 - out) * jnp.power(out, 2) * gt)
    # transpose_and_gather_feat: B x C x H x W -> B x (H*W) x C, gather peaks
    B, C, H, W = out.shape
    feat = jnp.transpose(out, (0, 2, 3, 1)).reshape(B, H * W, C)
    pos_pred_pix = jnp.take_along_axis(feat, ind[:, :, None].astype(jnp.int32), axis=1)  # B x M x C
    pos_pred = jnp.take_along_axis(pos_pred_pix, cat[:, :, None].astype(jnp.int32), axis=2)  # B x M x 1
    num_pos = jnp.sum(mask)
    pos_loss = jnp.sum(jnp.log(pos_pred) * jnp.power(1.0 - pos_pred, 2) * mask[:, :, None])
    return jnp.where(num_pos == 0, -neg_loss, -(pos_loss + neg_loss) / num_pos)

if __name__ == "__main__":
    import jax
    _d = setup_inputs()
    print(jax.jit(kernel)(*tuple(_d.values())))

</pallas_src>

<mosaic_0001>
#map = affine_map<(d0, d1) -> (0)>
module attributes {stable_mosaic.version = 14 : i64} {
  func.func @gather_kernel(%arg0: i32, %arg1: i32, %arg2: memref<10485760xf32, #tpu.memory_space<hbm>>, %arg3: memref<12000xi32, #tpu.memory_space<hbm>>, %arg4: memref<4096xf32, #tpu.memory_space<hbm>>, %arg5: memref<4096xi32, #tpu.memory_space<hbm>>, %arg6: memref<256xi32, #tpu.memory_space<vmem>>, %arg7: memref<256xi32, #tpu.memory_space<vmem>>, %arg8: memref<256xi32, #tpu.memory_space<vmem>>, %arg9: memref<256xi32, #tpu.memory_space<vmem>>, %arg10: memref<256xi32, #tpu.memory_space<vmem>>, %arg11: memref<256xf32, #tpu.memory_space<vmem>>, %arg12: memref<!tpu.dma_semaphore, #tpu.memory_space<semaphore_mem>>) attributes {dimension_semantics = [#tpu.dimension_semantics<core_parallel>, #tpu.dimension_semantics<subcore_parallel>], iteration_bounds = array<i64: 1, 16>, scalar_prefetch = 0 : i64, scratch_operands = 7 : i64, tpu.core_type = #tpu.core_type<sc_vector_subcore>, window_params = [{transform_indices = #map}, {transform_indices = #map}, {transform_indices = #map}, {transform_indices = #map}]} {
    %mul3A = arith.constant 1 : i32
    %mul3A_0 = arith.muli %arg1, %mul3A : i32
    %add3A = arith.addi %mul3A_0, %arg0 : i32
    %mul3A_1 = arith.constant 256 : i32
    %mul3A_2 = arith.muli %add3A, %mul3A_1 : i32
    %min3A = arith.constant 3744 : i32
    %min3A_3 = arith.minsi %mul3A_2, %min3A : i32
    %multiple_of3A = tpu.assume_multiple %min3A_3, 8 : i32
    "tpu.region"() ({
      %run_scoped3A = tpu.sem_alloc : memref<!tpu.dma_semaphore, #tpu.memory_space<semaphore_mem>>
      %dma_start3A_1667 = tpu.memref_slice %arg3[%multiple_of3A] : memref<12000xi32, #tpu.memory_space<hbm>> -> memref<256xi32, #tpu.memory_space<hbm>>
      %dma_start3A_1668 = tpu.memref_slice %arg3[%multiple_of3A] : memref<12000xi32, #tpu.memory_space<hbm>> -> memref<256xi32, #tpu.memory_space<hbm>>
      tpu.enqueue_dma source(%dma_start3A_1668 : memref<256xi32, #tpu.memory_space<hbm>>) target(%arg6 : memref<256xi32, #tpu.memory_space<vmem>>) target_semaphore(%run_scoped3A : memref<!tpu.dma_semaphore, #tpu.memory_space<semaphore_mem>>)
      %dma_wait3A_1669 = tpu.memref_slice %arg3[%multiple_of3A] : memref<12000xi32, #tpu.memory_space<hbm>> -> memref<256xi32, #tpu.memory_space<hbm>>
      %dma_wait3A_1670 = tpu.memref_slice %arg3[%multiple_of3A] : memref<12000xi32, #tpu.memory_space<hbm>> -> memref<256xi32, #tpu.memory_space<hbm>>
      tpu.wait_dma2 semaphore(%run_scoped3A : memref<!tpu.dma_semaphore, #tpu.memory_space<semaphore_mem>>) src(%dma_wait3A_1670 : memref<256xi32, #tpu.memory_space<hbm>>) dst(%arg6 : memref<256xi32, #tpu.memory_space<vmem>>)
      tpu.yield
    }) : () -> ()
    %add3A_4 = arith.constant 4000 : i32
    %add3A_5 = arith.addi %add3A_4, %multiple_of3A : i32
    "tpu.region"() ({
      %run_scoped3A = tpu.sem_alloc : memref<!tpu.dma_semaphore, #tpu.memory_space<semaphore_mem>>
      %dma_start3A_1667 = tpu.memref_slice %arg3[%add3A_5] : memref<12000xi32, #tpu.memory_space<hbm>> -> memref<256xi32, #tpu.memory_space<hbm>>
      %dma_start3A_1668 = tpu.memref_slice %arg3[%add3A_5] : memref<12000xi32, #tpu.memory_space<hbm>> -> memref<256xi32, #tpu.memory_space<hbm>>
      tpu.enqueue_dma source(%dma_start3A_1668 : memref<256xi32, #tpu.memory_space<hbm>>) target(%arg7 : memref<256xi32, #tpu.memory_space<vmem>>) target_semaphore(%run_scoped3A : memref<!tpu.dma_semaphore, #tpu.memory_space<semaphore_mem>>)
      %dma_wait3A_1669 = tpu.memref_slice %arg3[%add3A_5] : memref<12000xi32, #tpu.memory_space<hbm>> -> memref<256xi32, #tpu.memory_space<hbm>>
      %dma_wait3A_1670 = tpu.memref_slice %arg3[%add3A_5] : memref<12000xi32, #tpu.memory_space<hbm>> -> memref<256xi32, #tpu.memory_space<hbm>>
      tpu.wait_dma2 semaphore(%run_scoped3A : memref<!tpu.dma_semaphore, #tpu.memory_space<semaphore_mem>>) src(%dma_wait3A_1670 : memref<256xi32, #tpu.memory_space<hbm>>) dst(%arg7 : memref<256xi32, #tpu.memory_space<vmem>>)
      tpu.yield
    }) : () -> ()
    %add3A_6 = arith.constant 8000 : i32
    %add3A_7 = arith.addi %add3A_6, %multiple_of3A : i32
    "tpu.region"() ({
      %run_scoped3A = tpu.sem_alloc : memref<!tpu.dma_semaphore, #tpu.memory_space<semaphore_mem>>
      %dma_start3A_1667 = tpu.memref_slice %arg3[%add3A_7] : memref<12000xi32, #tpu.memory_space<hbm>> -> memref<256xi32, #tpu.memory_space<hbm>>
      %dma_start3A_1668 = tpu.memref_slice %arg3[%add3A_7] : memref<12000xi32, #tpu.memory_space<hbm>> -> memref<256xi32, #tpu.memory_space<hbm>>
      tpu.enqueue_dma source(%dma_start3A_1668 : memref<256xi32, #tpu.memory_space<hbm>>) target(%arg8 : memref<256xi32, #tpu.memory_space<vmem>>) target_semaphore(%run_scoped3A : memref<!tpu.dma_semaphore, #tpu.memory_space<semaphore_mem>>)
      %dma_wait3A_1669 = tpu.memref_slice %arg3[%add3A_7] : memref<12000xi32, #tpu.memory_space<hbm>> -> memref<256xi32, #tpu.memory_space<hbm>>
      %dma_wait3A_1670 = tpu.memref_slice %arg3[%add3A_7] : memref<12000xi32, #tpu.memory_space<hbm>> -> memref<256xi32, #tpu.memory_space<hbm>>
      tpu.wait_dma2 semaphore(%run_scoped3A : memref<!tpu.dma_semaphore, #tpu.memory_space<semaphore_mem>>) src(%dma_wait3A_1670 : memref<256xi32, #tpu.memory_space<hbm>>) dst(%arg8 : memref<256xi32, #tpu.memory_space<vmem>>)
      tpu.yield
    }) : () -> ()
    %iota3A = tpu.iota {dimensions = array<i32: 0>} : vector<16xi32>
    %add3A_8 = arith.constant 0 : i32
    %add3A_9 = vector.broadcast %add3A_8 : i32 to vector<16xi32>
    %add3A_10 = arith.addi %add3A_9, %iota3A : vector<16xi32>
    %add3A_11 = vector.broadcast %multiple_of3A : i32 to vector<16xi32>
    %add3A_12 = arith.addi %add3A_11, %add3A_10 : vector<16xi32>
    %ge3A = vector.broadcast %mul3A_2 : i32 to vector<16xi32>
    %ge3A_13 = arith.cmpi sge, %add3A_12, %ge3A : vector<16xi32>
    %get3A = arith.constant 0 : index
    %get3A_14 = tpu.vector_load %arg6[%get3A] {strides = array<i32>} : memref<256xi32, #tpu.memory_space<vmem>>, vector<16xi32>,
    %get3A_15 = vector.shape_cast %get3A_14 : vector<16xi32> to vector<16xi32>
    %get3A_16 = arith.constant 0 : index
    %get3A_17 = tpu.vector_load %arg7[%get3A_16] {strides = array<i32>} : memref<256xi32, #tpu.memory_space<vmem>>, vector<16xi32>,
    %get3A_18 = vector.shape_cast %get3A_17 : vector<16xi32> to vector<16xi32>
    %get3A_19 = arith.constant 0 : index
    %get3A_20 = tpu.vector_load %arg8[%get3A_19] {strides = array<i32>} : memref<256xi32, #tpu.memory_space<vmem>>, vector<16xi32>,
    %get3A_21 = vector.shape_cast %get3A_20 : vector<16xi32> to vector<16xi32>
    %broadcast_in_dim3A = arith.constant 0 : i32
    %broadcast_in_dim3A_22 = vector.broadcast %broadcast_in_dim3A : i32 to vector<16xi32>
    %ge3A_23 = arith.constant 500 : i32
    %ge3A_24 = vector.broadcast %ge3A_23 : i32 to vector<16xi32>
    %ge3A_25 = arith.cmpi sge, %add3A_12, %ge3A_24 : vector<16xi32>
    %jit3A = arith.constant 1 : i32
    %jit3A_26 = arith.constant 0 : i32
    %broadcast_in_dim3A_27 = vector.broadcast %jit3A : i32 to vector<16xi32>
    %broadcast_in_dim3A_28 = vector.broadcast %jit3A_26 : i32 to vector<16xi32>
    %select_n3A = arith.select %ge3A_25, %broadcast_in_dim3A_27, %broadcast_in_dim3A_28 : vector<16xi1>, vector<16xi32>
    %add3A_29 = arith.addi %broadcast_in_dim3A_22, %select_n3A : vector<16xi32>
    %ge3A_30 = arith.constant 1000 : i32
    %ge3A_31 = vector.broadcast %ge3A_30 : i32 to vector<16xi32>
    %ge3A_32 = arith.cmpi sge, %add3A_12, %ge3A_31 : vector<16xi32>
    %jit3A_33 = arith.constant 1 : i32
    %jit3A_34 = arith.constant 0 : i32
    %broadcast_in_dim3A_35 = vector.broadcast %jit3A_33 : i32 to vector<16xi32>
    %broadcast_in_dim3A_36 = vector.broadcast %jit3A_34 : i32 to vector<16xi32>
    %select_n3A_37 = arith.select %ge3A_32, %broadcast_in_dim3A_35, %broadcast_in_dim3A_36 : vector<16xi1>, vector<16xi32>
    %add3A_38 = arith.addi %add3A_29, %select_n3A_37 : vector<16xi32>
    %ge3A_39 = arith.constant 1500 : i32
    %ge3A_40 = vector.broadcast %ge3A_39 : i32 to vector<16xi32>
    %ge3A_41 = arith.cmpi sge, %add3A_12, %ge3A_40 : vector<16xi32>
    %jit3A_42 = arith.constant 1 : i32
    %jit3A_43 = arith.constant 0 : i32
    %broadcast_in_dim3A_44 = vector.broadcast %jit3A_42 : i32 to vector<16xi32>
    %broadcast_in_dim3A_45 = vector.broadcast %jit3A_43 : i32 to vector<16xi32>
    %select_n3A_46 = arith.select %ge3A_41, %broadcast_in_dim3A_44, %broadcast_in_dim3A_45 : vector<16xi1>, vector<16xi32>
    %add3A_47 = arith.addi %add3A_38, %select_n3A_46 : vector<16xi32>
    %ge3A_48 = arith.constant 2000 : i32
    %ge3A_49 = vector.broadcast %ge3A_48 : i32 to vector<16xi32>
    %ge3A_50 = arith.cmpi sge, %add3A_12, %ge3A_49 : vector<16xi32>
    %jit3A_51 = arith.constant 1 : i32
    %jit3A_52 = arith.constant 0 : i32
    %broadcast_in_dim3A_53 = vector.broadcast %jit3A_51 : i32 to vector<16xi32>
    %broadcast_in_dim3A_54 = vector.broadcast %jit3A_52 : i32 to vector<16xi32>
    %select_n3A_55 = arith.select %ge3A_50, %broadcast_in_dim3A_53, %broadcast_in_dim3A_54 : vector<16xi1>, vector<16xi32>
    %add3A_56 = arith.addi %add3A_47, %select_n3A_55 : vector<16xi32>
    %ge3A_57 = arith.constant 2500 : i32
    %ge3A_58 = vector.broadcast %ge3A_57 : i32 to vector<16xi32>
    %ge3A_59 = arith.cmpi sge, %add3A_12, %ge3A_58 : vector<16xi32>
    %jit3A_60 = arith.constant 1 : i32
    %jit3A_61 = arith.constant 0 : i32
    %broadcast_in_dim3A_62 = vector.broadcast %jit3A_60 : i32 to vector<16xi32>
    %broadcast_in_dim3A_63 = vector.broadcast %jit3A_61 : i32 to vector<16xi32>
    %select_n3A_64 = arith.select %ge3A_59, %broadcast_in_dim3A_62, %broadcast_in_dim3A_63 : vector<16xi1>, vector<16xi32>
    %add3A_65 = arith.addi %add3A_56, %select_n3A_64 : vector<16xi32>
    %ge3A_66 = arith.constant 3000 : i32
    %ge3A_67 = vector.broadcast %ge3A_66 : i32 to vector<16xi32>
    %ge3A_68 = arith.cmpi sge, %add3A_12, %ge3A_67 : vector<16xi32>
    %jit3A_69 = arith.constant 1 : i32
    %jit3A_70 = arith.constant 0 : i32
    %broadcast_in_dim3A_71 = vector.broadcast %jit3A_69 : i32 to vector<16xi32>
    %broadcast_in_dim3A_72 = vector.broadcast %jit3A_70 : i32 to vector<16xi32>
    %select_n3A_73 = arith.select %ge3A_68, %broadcast_in_dim3A_71, %broadcast_in_dim3A_72 : vector<16xi1>, vector<16xi32>
    %add3A_74 = arith.addi %add3A_65, %select_n3A_73 : vector<16xi32>
    %ge3A_75 = arith.constant 3500 : i32
    %ge3A_76 = vector.broadcast %ge3A_75 : i32 to vector<16xi32>
    %ge3A_77 = arith.cmpi sge, %add3A_12, %ge3A_76 : vector<16xi32>
    %jit3A_78 = arith.constant 1 : i32
    %jit3A_79 = arith.constant 0 : i32
    %broadcast_in_dim3A_80 = vector.broadcast %jit3A_78 : i32 to vector<16xi32>
    %broadcast_in_dim3A_81 = vector.broadcast %jit3A_79 : i32 to vector<16xi32>
    %select_n3A_82 = arith.select %ge3A_77, %broadcast_in_dim3A_80, %broadcast_in_dim3A_81 : vector<16xi1>, vector<16xi32>
    %add3A_83 = arith.addi %add3A_74, %select_n3A_82 : vector<16xi32>
    %mul3A_84 = arith.constant 1310720 : i32
    %mul3A_85 = vector.broadcast %mul3A_84 : i32 to vector<16xi32>
    %mul3A_86 = arith.muli %add3A_83, %mul3A_85 : vector<16xi32>
    %mul3A_87 = arith.constant 16384 : i32
    %mul3A_88 = vector.broadcast %mul3A_87 : i32 to vector<16xi32>
    %mul3A_89 = arith.muli %get3A_18, %mul3A_88 : vector<16xi32>
    %add3A_90 = arith.addi %mul3A_86, %mul3A_89 : vector<16xi32>
    %add3A_91 = arith.addi %add3A_90, %get3A_15 : vector<16xi32>
    %jit3A_92 = arith.constant 0 : i32
    %broadcast_in_dim3A_93 = vector.broadcast %jit3A_92 : i32 to vector<16xi32>
    %select_n3A_94 = arith.select %ge3A_13, %add3A_91, %broadcast_in_dim3A_93 : vector<16xi1>, vector<16xi32>
    %swap3A = arith.constant 0 : index
    %swap3A_95 = tpu.vector_load %arg9[%swap3A] {strides = array<i32>} : memref<256xi32, #tpu.memory_space<vmem>>, vector<16xi32>,
    %swap3A_96 = vector.shape_cast %swap3A_95 : vector<16xi32> to vector<16xi32>
    %swap3A_97 = vector.shape_cast %select_n3A_94 : vector<16xi32> to vector<16xi32>
    tpu.vector_store %arg9[%swap3A], %swap3A_97 {strides = array<i32>} : memref<256xi32, #tpu.memory_space<vmem>>, vector<16xi32>,
    %jit3A_98 = arith.constant 0 : i32
    %broadcast_in_dim3A_99 = vector.broadcast %jit3A_98 : i32 to vector<16xi32>
    %select_n3A_100 = arith.select %ge3A_13, %get3A_21, %broadcast_in_dim3A_99 : vector<16xi1>, vector<16xi32>
    %swap3A_101 = arith.constant 0 : index
    %swap3A_102 = tpu.vector_load %arg10[%swap3A_101] {strides = array<i32>} : memref<256xi32, #tpu.memory_space<vmem>>, vector<16xi32>,
    %swap3A_103 = vector.shape_cast %swap3A_102 : vector<16xi32> to vector<16xi32>
    %swap3A_104 = vector.shape_cast %select_n3A_100 : vector<16xi32> to vector<16xi32>
    tpu.vector_store %arg10[%swap3A_101], %swap3A_104 {strides = array<i32>} : memref<256xi32, #tpu.memory_space<vmem>>, vector<16xi32>,
    %iota3A_105 = tpu.iota {dimensions = array<i32: 0>} : vector<16xi32>
    %add3A_106 = arith.constant 16 : i32
    %add3A_107 = vector.broadcast %add3A_106 : i32 to vector<16xi32>
    %add3A_108 = arith.addi %add3A_107, %iota3A_105 : vector<16xi32>
    %add3A_109 = vector.broadcast %multiple_of3A : i32 to vector<16xi32>
    %add3A_110 = arith.addi %add3A_109, %add3A_108 : vector<16xi32>
    %ge3A_111 = vector.broadcast %mul3A_2 : i32 to vector<16xi32>
    %ge3A_112 = arith.cmpi sge, %add3A_110, %ge3A_111 : vector<16xi32>
    %get3A_113 = arith.constant 16 : index
    %get3A_114 = tpu.vector_load %arg6[%get3A_113] {strides = array<i32>} : memref<256xi32, #tpu.memory_space<vmem>>, vector<16xi32>,
    %get3A_115 = vector.shape_cast %get3A_114 : vector<16xi32> to vector<16xi32>
    %get3A_116 = arith.constant 16 : index
    %get3A_117 = tpu.vector_load %arg7[%get3A_116] {strides = array<i32>} : memref<256xi32, #tpu.memory_space<vmem>>, vector<16xi32>,
    %get3A_118 = vector.shape_cast %get3A_117 : vector<16xi32> to vector<16xi32>
    %get3A_119 = arith.constant 16 : index
    %get3A_120 = tpu.vector_load %arg8[%get3A_119] {strides = array<i32>} : memref<256xi32, #tpu.memory_space<vmem>>, vector<16xi32>,
    %get3A_121 = vector.shape_cast %get3A_120 : vector<16xi32> to vector<16xi32>
    %broadcast_in_dim3A_122 = arith.constant 0 : i32
    %broadcast_in_dim3A_123 = vector.broadcast %broadcast_in_dim3A_122 : i32 to vector<16xi32>
    %ge3A_124 = arith.constant 500 : i32
    %ge3A_125 = vector.broadcast %ge3A_124 : i32 to vector<16xi32>
    %ge3A_126 = arith.cmpi sge, %add3A_110, %ge3A_125 : vector<16xi32>
    %jit3A_127 = arith.constant 1 : i32
    %jit3A_128 = arith.constant 0 : i32
    %broadcast_in_dim3A_129 = vector.broadcast %jit3A_127 : i32 to vector<16xi32>
    %broadcast_in_dim3A_130 = vector.broadcast %jit3A_128 : i32 to vector<16xi32>
    %select_n3A_131 = arith.select %ge3A_126, %broadcast_in_dim3A_129, %broadcast_in_dim3A_130 : vector<16xi1>, vector<16xi32>
    %add3A_132 = arith.addi %broadcast_in_dim3A_123, %select_n3A_131 : vector<16xi32>
    %ge3A_133 = arith.constant 1000 : i32
    %ge3A_134 = vector.broadcast %ge3A_133 : i32 to vector<16xi32>
    %ge3A_135 = arith.cmpi sge, %add3A_110, %ge3A_134 : vector<16xi32>
    %jit3A_136 = arith.constant 1 : i32
    %jit3A_137 = arith.constant 0 : i32
    %broadcast_in_dim3A_138 = vector.broadcast %jit3A_136 : i32 to vector<16xi32>
    %broadcast_in_dim3A_139 = vector.broadcast %jit3A_137 : i32 to vector<16xi32>
    %select_n3A_140 = arith.select %ge3A_135, %broadcast_in_dim3A_138, %broadcast_in_dim3A_139 : vector<16xi1>, vector<16xi32>
    %add3A_141 = arith.addi %add3A_132, %select_n3A_140 : vector<16xi32>
    %ge3A_142 = arith.constant 1500 : i32
    %ge3A_143 = vector.broadcast %ge3A_142 : i32 to vector<16xi32>
    %ge3A_144 = arith.cmpi sge, %add3A_110, %ge3A_143 : vector<16xi32>
    %jit3A_145 = arith.constant 1 : i32
    %jit3A_146 = arith.constant 0 : i32
    %broadcast_in_dim3A_147 = vector.broadcast %jit3A_145 : i32 to vector<16xi32>
    %broadcast_in_dim3A_148 = vector.broadcast %jit3A_146 : i32 to vector<16xi32>
    %select_n3A_149 = arith.select %ge3A_144, %broadcast_in_dim3A_147, %broadcast_in_dim3A_148 : vector<16xi1>, vector<16xi32>
    %add3A_150 = arith.addi %add3A_141, %select_n3A_149 : vector<16xi32>
    %ge3A_151 = arith.constant 2000 : i32
    %ge3A_152 = vector.broadcast %ge3A_151 : i32 to vector<16xi32>
    %ge3A_153 = arith.cmpi sge, %add3A_110, %ge3A_152 : vector<16xi32>
    %jit3A_154 = arith.constant 1 : i32
    %jit3A_155 = arith.constant 0 : i32
    %broadcast_in_dim3A_156 = vector.broadcast %jit3A_154 : i32 to vector<16xi32>
    %broadcast_in_dim3A_157 = vector.broadcast %jit3A_155 : i32 to vector<16xi32>
    %select_n3A_158 = arith.select %ge3A_153, %broadcast_in_dim3A_156, %broadcast_in_dim3A_157 : vector<16xi1>, vector<16xi32>
    %add3A_159 = arith.addi %add3A_150, %select_n3A_158 : vector<16xi32>
    %ge3A_160 = arith.constant 2500 : i32
    %ge3A_161 = vector.broadcast %ge3A_160 : i32 to vector<16xi32>
    %ge3A_162 = arith.cmpi sge, %add3A_110, %ge3A_161 : vector<16xi32>
    %jit3A_163 = arith.constant 1 : i32
    %jit3A_164 = arith.constant 0 : i32
    %broadcast_in_dim3A_165 = vector.broadcast %jit3A_163 : i32 to vector<16xi32>
    %broadcast_in_dim3A_166 = vector.broadcast %jit3A_164 : i32 to vector<16xi32>
    %select_n3A_167 = arith.select %ge3A_162, %broadcast_in_dim3A_165, %broadcast_in_dim3A_166 : vector<16xi1>, vector<16xi32>
    %add3A_168 = arith.addi %add3A_159, %select_n3A_167 : vector<16xi32>
    %ge3A_169 = arith.constant 3000 : i32
    %ge3A_170 = vector.broadcast %ge3A_169 : i32 to vector<16xi32>
    %ge3A_171 = arith.cmpi sge, %add3A_110, %ge3A_170 : vector<16xi32>
    %jit3A_172 = arith.constant 1 : i32
    %jit3A_173 = arith.constant 0 : i32
    %broadcast_in_dim3A_174 = vector.broadcast %jit3A_172 : i32 to vector<16xi32>
    %broadcast_in_dim3A_175 = vector.broadcast %jit3A_173 : i32 to vector<16xi32>
    %select_n3A_176 = arith.select %ge3A_171, %broadcast_in_dim3A_174, %broadcast_in_dim3A_175 : vector<16xi1>, vector<16xi32>
    %add3A_177 = arith.addi %add3A_168, %select_n3A_176 : vector<16xi32>
    %ge3A_178 = arith.constant 3500 : i32
    %ge3A_179 = vector.broadcast %ge3A_178 : i32 to vector<16xi32>
    %ge3A_180 = arith.cmpi sge, %add3A_110, %ge3A_179 : vector<16xi32>
    %jit3A_181 = arith.constant 1 : i32
    %jit3A_182 = arith.constant 0 : i32
    %broadcast_in_dim3A_183 = vector.broadcast %jit3A_181 : i32 to vector<16xi32>
    %broadcast_in_dim3A_184 = vector.broadcast %jit3A_182 : i32 to vector<16xi32>
    %select_n3A_185 = arith.select %ge3A_180, %broadcast_in_dim3A_183, %broadcast_in_dim3A_184 : vector<16xi1>, vector<16xi32>
    %add3A_186 = arith.addi %add3A_177, %select_n3A_185 : vector<16xi32>
    %mul3A_187 = arith.constant 1310720 : i32
    %mul3A_188 = vector.broadcast %mul3A_187 : i32 to vector<16xi32>
    %mul3A_189 = arith.muli %add3A_186, %mul3A_188 : vector<16xi32>
    %mul3A_190 = arith.constant 16384 : i32
    %mul3A_191 = vector.broadcast %mul3A_190 : i32 to vector<16xi32>
    %mul3A_192 = arith.muli %get3A_118, %mul3A_191 : vector<16xi32>
    %add3A_193 = arith.addi %mul3A_189, %mul3A_192 : vector<16xi32>
    %add3A_194 = arith.addi %add3A_193, %get3A_115 : vector<16xi32>
    %jit3A_195 = arith.constant 0 : i32
    %broadcast_in_dim3A_196 = vector.broadcast %jit3A_195 : i32 to vector<16xi32>
    %select_n3A_197 = arith.select %ge3A_112, %add3A_194, %broadcast_in_dim3A_196 : vector<16xi1>, vector<16xi32>
    %swap3A_198 = arith.constant 16 : index
    %swap3A_199 = tpu.vector_load %arg9[%swap3A_198] {strides = array<i32>} : memref<256xi32, #tpu.memory_space<vmem>>, vector<16xi32>,
    %swap3A_200 = vector.shape_cast %swap3A_199 : vector<16xi32> to vector<16xi32>
    %swap3A_201 = vector.shape_cast %select_n3A_197 : vector<16xi32> to vector<16xi32>
    tpu.vector_store %arg9[%swap3A_198], %swap3A_201 {strides = array<i32>} : memref<256xi32, #tpu.memory_space<vmem>>, vector<16xi32>,
    %jit3A_202 = arith.constant 0 : i32
    %broadcast_in_dim3A_203 = vector.broadcast %jit3A_202 : i32 to vector<16xi32>
    %select_n3A_204 = arith.select %ge3A_112, %get3A_121, %broadcast_in_dim3A_203 : vector<16xi1>, vector<16xi32>
    %swap3A_205 = arith.constant 16 : index
    %swap3A_206 = tpu.vector_load %arg10[%swap3A_205] {strides = array<i32>} : memref<256xi32, #tpu.memory_space<vmem>>, vector<16xi32>,
    %swap3A_207 = vector.shape_cast %swap3A_206 : vector<16xi32> to vector<16xi32>
    %swap3A_208 = vector.shape_cast %select_n3A_204 : vector<16xi32> to vector<16xi32>
    tpu.vector_store %arg10[%swap3A_205], %swap3A_208 {strides = array<i32>} : memref<256xi32, #tpu.memory_space<vmem>>, vector<16xi32>,
    %iota3A_209 = tpu.iota {dimensions = array<i32: 0>} : vector<16xi32>
    %add3A_210 = arith.constant 32 : i32
    %add3A_211 = vector.broadcast %add3A_210 : i32 to vector<16xi32>
    %add3A_212 = arith.addi %add3A_211, %iota3A_209 : vector<16xi32>
    %add3A_213 = vector.broadcast %multiple_of3A : i32 to vector<16xi32>
    %add3A_214 = arith.addi %add3A_213, %add3A_212 : vector<16xi32>
    %ge3A_215 = vector.broadcast %mul3A_2 : i32 to vector<16xi32>
    %ge3A_216 = arith.cmpi sge, %add3A_214, %ge3A_215 : vector<16xi32>
    %get3A_217 = arith.constant 32 : index
    %get3A_218 = tpu.vector_load %arg6[%get3A_217] {strides = array<i32>} : memref<256xi32, #tpu.memory_space<vmem>>, vector<16xi32>,
    %get3A_219 = vector.shape_cast %get3A_218 : vector<16xi32> to vector<16xi32>
    %get3A_220 = arith.constant 32 : index
    %get3A_221 = tpu.vector_load %arg7[%get3A_220] {strides = array<i32>} : memref<256xi32, #tpu.memory_space<vmem>>, vector<16xi32>,
    %get3A_222 = vector.shape_cast %get3A_221 : vector<16xi32> to vector<16xi32>
    %get3A_223 = arith.constant 32 : index
    %get3A_224 = tpu.vector_load %arg8[%get3A_223] {strides = array<i32>} : memref<256xi32, #tpu.memory_space<vmem>>, vector<16xi32>,
    %get3A_225 = vector.shape_cast %get3A_224 : vector<16xi32> to vector<16xi32>
    %broadcast_in_dim3A_226 = arith.constant 0 : i32
    %broadcast_in_dim3A_227 = vector.broadcast %broadcast_in_dim3A_226 : i32 to vector<16xi32>
    %ge3A_228 = arith.constant 500 : i32
    %ge3A_229 = vector.broadcast %ge3A_228 : i32 to vector<16xi32>
    %ge3A_230 = arith.cmpi sge, %add3A_214, %ge3A_229 : vector<16xi32>
    %jit3A_231 = arith.constant 1 : i32
    %jit3A_232 = arith.constant 0 : i32
    %broadcast_in_dim3A_233 = vector.broadcast %jit3A_231 : i32 to vector<16xi32>
    %broadcast_in_dim3A_234 = vector.broadcast %jit3A_232 : i32 to vector<16xi32>
    %select_n3A_235 = arith.select %ge3A_230, %broadcast_in_dim3A_233, %broadcast_in_dim3A_234 : vector<16xi1>, vector<16xi32>
    %add3A_236 = arith.addi %broadcast_in_dim3A_227, %select_n3A_235 : vector<16xi32>
    %ge3A_237 = arith.constant 1000 : i32
    %ge3A_238 = vector.broadcast %ge3A_237 : i32 to vector<16xi32>
    %ge3A_239 = arith.cmpi sge, %add3A_214, %ge3A_238 : vector<16xi32>
    %jit3A_240 = arith.constant 1 : i32
    %jit3A_241 = arith.constant 0 : i32
    %broadcast_in_dim3A_242 = vector.broadcast %jit3A_240 : i32 to vector<16xi32>
    %broadcast_in_dim3A_243 = vector.broadcast %jit3A_241 : i32 to vector<16xi32>
    %select_n3A_244 = arith.select %ge3A_239, %broadcast_in_dim3A_242, %broadcast_in_dim3A_243 : vector<16xi1>, vector<16xi32>
    %add3A_245 = arith.addi %add3A_236, %select_n3A_244 : vector<16xi32>
    %ge3A_246 = arith.constant 1500 : i32
    %ge3A_247 = vector.broadcast %ge3A_246 : i32 to vector<16xi32>
    %ge3A_248 = arith.cmpi sge, %add3A_214, %ge3A_247 : vector<16xi32>
    %jit3A_249 = arith.constant 1 : i32
    %jit3A_250 = arith.constant 0 : i32
    %broadcast_in_dim3A_251 = vector.broadcast %jit3A_249 : i32 to vector<16xi32>
    %broadcast_in_dim3A_252 = vector.broadcast %jit3A_250 : i32 to vector<16xi32>
    %select_n3A_253 = arith.select %ge3A_248, %broadcast_in_dim3A_251, %broadcast_in_dim3A_252 : vector<16xi1>, vector<16xi32>
    %add3A_254 = arith.addi %add3A_245, %select_n3A_253 : vector<16xi32>
    %ge3A_255 = arith.constant 2000 : i32
    %ge3A_256 = vector.broadcast %ge3A_255 : i32 to vector<16xi32>
    %ge3A_257 = arith.cmpi sge, %add3A_214, %ge3A_256 : vector<16xi32>
    %jit3A_258 = arith.constant 1 : i32
    %jit3A_259 = arith.constant 0 : i32
    %broadcast_in_dim3A_260 = vector.broadcast %jit3A_258 : i32 to vector<16xi32>
    %broadcast_in_dim3A_261 = vector.broadcast %jit3A_259 : i32 to vector<16xi32>
    %select_n3A_262 = arith.select %ge3A_257, %broadcast_in_dim3A_260, %broadcast_in_dim3A_261 : vector<16xi1>, vector<16xi32>
    %add3A_263 = arith.addi %add3A_254, %select_n3A_262 : vector<16xi32>
    %ge3A_264 = arith.constant 2500 : i32
    %ge3A_265 = vector.broadcast %ge3A_264 : i32 to vector<16xi32>
    %ge3A_266 = arith.cmpi sge, %add3A_214, %ge3A_265 : vector<16xi32>
    %jit3A_267 = arith.constant 1 : i32
    %jit3A_268 = arith.constant 0 : i32
    %broadcast_in_dim3A_269 = vector.broadcast %jit3A_267 : i32 to vector<16xi32>
    %broadcast_in_dim3A_270 = vector.broadcast %jit3A_268 : i32 to vector<16xi32>
    %select_n3A_271 = arith.select %ge3A_266, %broadcast_in_dim3A_269, %broadcast_in_dim3A_270 : vector<16xi1>, vector<16xi32>
    %add3A_272 = arith.addi %add3A_263, %select_n3A_271 : vector<16xi32>
    %ge3A_273 = arith.constant 3000 : i32
    %ge3A_274 = vector.broadcast %ge3A_273 : i32 to vector<16xi32>
    %ge3A_275 = arith.cmpi sge, %add3A_214, %ge3A_274 : vector<16xi32>
    %jit3A_276 = arith.constant 1 : i32
    %jit3A_277 = arith.constant 0 : i32
    %broadcast_in_dim3A_278 = vector.broadcast %jit3A_276 : i32 to vector<16xi32>
    %broadcast_in_dim3A_279 = vector.broadcast %jit3A_277 : i32 to vector<16xi32>
    %select_n3A_280 = arith.select %ge3A_275, %broadcast_in_dim3A_278, %broadcast_in_dim3A_279 : vector<16xi1>, vector<16xi32>
    %add3A_281 = arith.addi %add3A_272, %select_n3A_280 : vector<16xi32>
    %ge3A_282 = arith.constant 3500 : i32
    %ge3A_283 = vector.broadcast %ge3A_282 : i32 to vector<16xi32>
    %ge3A_284 = arith.cmpi sge, %add3A_214, %ge3A_283 : vector<16xi32>
    %jit3A_285 = arith.constant 1 : i32
    %jit3A_286 = arith.constant 0 : i32
    %broadcast_in_dim3A_287 = vector.broadcast %jit3A_285 : i32 to vector<16xi32>
    %broadcast_in_dim3A_288 = vector.broadcast %jit3A_286 : i32 to vector<16xi32>
    %select_n3A_289 = arith.select %ge3A_284, %broadcast_in_dim3A_287, %broadcast_in_dim3A_288 : vector<16xi1>, vector<16xi32>
    %add3A_290 = arith.addi %add3A_281, %select_n3A_289 : vector<16xi32>
    %mul3A_291 = arith.constant 1310720 : i32
    %mul3A_292 = vector.broadcast %mul3A_291 : i32 to vector<16xi32>
    %mul3A_293 = arith.muli %add3A_290, %mul3A_292 : vector<16xi32>
    %mul3A_294 = arith.constant 16384 : i32
    %mul3A_295 = vector.broadcast %mul3A_294 : i32 to vector<16xi32>
    %mul3A_296 = arith.muli %get3A_222, %mul3A_295 : vector<16xi32>
    %add3A_297 = arith.addi %mul3A_293, %mul3A_296 : vector<16xi32>
    %add3A_298 = arith.addi %add3A_297, %get3A_219 : vector<16xi32>
    %jit3A_299 = arith.constant 0 : i32
    %broadcast_in_dim3A_300 = vector.broadcast %jit3A_299 : i32 to vector<16xi32>
    %select_n3A_301 = arith.select %ge3A_216, %add3A_298, %broadcast_in_dim3A_300 : vector<16xi1>, vector<16xi32>
    %swap3A_302 = arith.constant 32 : index
    %swap3A_303 = tpu.vector_load %arg9[%swap3A_302] {strides = array<i32>} : memref<256xi32, #tpu.memory_space<vmem>>, vector<16xi32>,
    %swap3A_304 = vector.shape_cast %swap3A_303 : vector<16xi32> to vector<16xi32>
    %swap3A_305 = vector.shape_cast %select_n3A_301 : vector<16xi32> to vector<16xi32>
    tpu.vector_store %arg9[%swap3A_302], %swap3A_305 {strides = array<i32>} : memref<256xi32, #tpu.memory_space<vmem>>, vector<16xi32>,
    %jit3A_306 = arith.constant 0 : i32
    %broadcast_in_dim3A_307 = vector.broadcast %jit3A_306 : i32 to vector<16xi32>
    %select_n3A_308 = arith.select %ge3A_216, %get3A_225, %broadcast_in_dim3A_307 : vector<16xi1>, vector<16xi32>
    %swap3A_309 = arith.constant 32 : index
    %swap3A_310 = tpu.vector_load %arg10[%swap3A_309] {strides = array<i32>} : memref<256xi32, #tpu.memory_space<vmem>>, vector<16xi32>,
    %swap3A_311 = vector.shape_cast %swap3A_310 : vector<16xi32> to vector<16xi32>
    %swap3A_312 = vector.shape_cast %select_n3A_308 : vector<16xi32> to vector<16xi32>
    tpu.vector_store %arg10[%swap3A_309], %swap3A_312 {strides = array<i32>} : memref<256xi32, #tpu.memory_space<vmem>>, vector<16xi32>,
    %iota3A_313 = tpu.iota {dimensions = array<i32: 0>} : vector<16xi32>
    %add3A_314 = arith.constant 48 : i32
    %add3A_315 = vector.broadcast %add3A_314 : i32 to vector<16xi32>
    %add3A_316 = arith.addi %add3A_315, %iota3A_313 : vector<16xi32>
    %add3A_317 = vector.broadcast %multiple_of3A : i32 to vector<16xi32>
    %add3A_318 = arith.addi %add3A_317, %add3A_316 : vector<16xi32>
    %ge3A_319 = vector.broadcast %mul3A_2 : i32 to vector<16xi32>
    %ge3A_320 = arith.cmpi sge, %add3A_318, %ge3A_319 : vector<16xi32>
    %get3A_321 = arith.constant 48 : index
    %get3A_322 = tpu.vector_load %arg6[%get3A_321] {strides = array<i32>} : memref<256xi32, #tpu.memory_space<vmem>>, vector<16xi32>,
    %get3A_323 = vector.shape_cast %get3A_322 : vector<16xi32> to vector<16xi32>
    %get3A_324 = arith.constant 48 : index
    %get3A_325 = tpu.vector_load %arg7[%get3A_324] {strides = array<i32>} : memref<256xi32, #tpu.memory_space<vmem>>, vector<16xi32>,
    %get3A_326 = vector.shape_cast %get3A_325 : vector<16xi32> to vector<16xi32>
    %get3A_327 = arith.constant 48 : index
    %get3A_328 = tpu.vector_load %arg8[%get3A_327] {strides = array<i32>} : memref<256xi32, #tpu.memory_space<vmem>>, vector<16xi32>,
    %get3A_329 = vector.shape_cast %get3A_328 : vector<16xi32> to vector<16xi32>
    %broadcast_in_dim3A_330 = arith.constant 0 : i32
    %broadcast_in_dim3A_331 = vector.broadcast %broadcast_in_dim3A_330 : i32 to vector<16xi32>
    %ge3A_332 = arith.constant 500 : i32
    %ge3A_333 = vector.broadcast %ge3A_332 : i32 to vector<16xi32>
    %ge3A_334 = arith.cmpi sge, %add3A_318, %ge3A_333 : vector<16xi32>
    %jit3A_335 = arith.constant 1 : i32
    %jit3A_336 = arith.constant 0 : i32
    %broadcast_in_dim3A_337 = vector.broadcast %jit3A_335 : i32 to vector<16xi32>
    %broadcast_in_dim3A_338 = vector.broadcast %jit3A_336 : i32 to vector<16xi32>
    %select_n3A_339 = arith.select %ge3A_334, %broadcast_in_dim3A_337, %broadcast_in_dim3A_338 : vector<16xi1>, vector<16xi32>
    %add3A_340 = arith.addi %broadcast_in_dim3A_331, %select_n3A_339 : vector<16xi32>
    %ge3A_341 = arith.constant 1000 : i32
    %ge3A_342 = vector.broadcast %ge3A_341 : i32 to vector<16xi32>
    %ge3A_343 = arith.cmpi sge, %add3A_318, %ge3A_342 : vector<16xi32>
    %jit3A_344 = arith.constant 1 : i32
    %jit3A_345 = arith.constant 0 : i32
    %broadcast_in_dim3A_346 = vector.broadcast %jit3A_344 : i32 to vector<16xi32>
    %broadcast_in_dim3A_347 = vector.broadcast %jit3A_345 : i32 to vector<16xi32>
    %select_n3A_348 = arith.select %ge3A_343, %broadcast_in_dim3A_346, %broadcast_in_dim3A_347 : vector<16xi1>, vector<16xi32>
    %add3A_349 = arith.addi %add3A_340, %select_n3A_348 : vector<16xi32>
    %ge3A_350 = arith.constant 1500 : i32
    %ge3A_351 = vector.broadcast %ge3A_350 : i32 to vector<16xi32>
    %ge3A_352 = arith.cmpi sge, %add3A_318, %ge3A_351 : vector<16xi32>
    %jit3A_353 = arith.constant 1 : i32
    %jit3A_354 = arith.constant 0 : i32
    %broadcast_in_dim3A_355 = vector.broadcast %jit3A_353 : i32 to vector<16xi32>
    %broadcast_in_dim3A_356 = vector.broadcast %jit3A_354 : i32 to vector<16xi32>
    %select_n3A_357 = arith.select %ge3A_352, %broadcast_in_dim3A_355, %broadcast_in_dim3A_356 : vector<16xi1>, vector<16xi32>
    %add3A_358 = arith.addi %add3A_349, %select_n3A_357 : vector<16xi32>
    %ge3A_359 = arith.constant 2000 : i32
    %ge3A_360 = vector.broadcast %ge3A_359 : i32 to vector<16xi32>
    %ge3A_361 = arith.cmpi sge, %add3A_318, %ge3A_360 : vector<16xi32>
    %jit3A_362 = arith.constant 1 : i32
    %jit3A_363 = arith.constant 0 : i32
    %broadcast_in_dim3A_364 = vector.broadcast %jit3A_362 : i32 to vector<16xi32>
    %broadcast_in_dim3A_365 = vector.broadcast %jit3A_363 : i32 to vector<16xi32>
    %select_n3A_366 = arith.select %ge3A_361, %broadcast_in_dim3A_364, %broadcast_in_dim3A_365 : vector<16xi1>, vector<16xi32>
    %add3A_367 = arith.addi %add3A_358, %select_n3A_366 : vector<16xi32>
    %ge3A_368 = arith.constant 2500 : i32
    %ge3A_369 = vector.broadcast %ge3A_368 : i32 to vector<16xi32>
    %ge3A_370 = arith.cmpi sge, %add3A_318, %ge3A_369 : vector<16xi32>
    %jit3A_371 = arith.constant 1 : i32
    %jit3A_372 = arith.constant 0 : i32
    %broadcast_in_dim3A_373 = vector.broadcast %jit3A_371 : i32 to vector<16xi32>
    %broadcast_in_dim3A_374 = vector.broadcast %jit3A_372 : i32 to vector<16xi32>
    %select_n3A_375 = arith.select %ge3A_370, %broadcast_in_dim3A_373, %broadcast_in_dim3A_374 : vector<16xi1>, vector<16xi32>
    %add3A_376 = arith.addi %add3A_367, %select_n3A_375 : vector<16xi32>
    %ge3A_377 = arith.constant 3000 : i32
    %ge3A_378 = vector.broadcast %ge3A_377 : i32 to vector<16xi32>
    %ge3A_379 = arith.cmpi sge, %add3A_318, %ge3A_378 : vector<16xi32>
    %jit3A_380 = arith.constant 1 : i32
    %jit3A_381 = arith.constant 0 : i32
    %broadcast_in_dim3A_382 = vector.broadcast %jit3A_380 : i32 to vector<16xi32>
    %broadcast_in_dim3A_383 = vector.broadcast %jit3A_381 : i32 to vector<16xi32>
    %select_n3A_384 = arith.select %ge3A_379, %broadcast_in_dim3A_382, %broadcast_in_dim3A_383 : vector<16xi1>, vector<16xi32>
    %add3A_385 = arith.addi %add3A_376, %select_n3A_384 : vector<16xi32>
    %ge3A_386 = arith.constant 3500 : i32
    %ge3A_387 = vector.broadcast %ge3A_386 : i32 to vector<16xi32>
    %ge3A_388 = arith.cmpi sge, %add3A_318, %ge3A_387 : vector<16xi32>
    %jit3A_389 = arith.constant 1 : i32
    %jit3A_390 = arith.constant 0 : i32
    %broadcast_in_dim3A_391 = vector.broadcast %jit3A_389 : i32 to vector<16xi32>
    %broadcast_in_dim3A_392 = vector.broadcast %jit3A_390 : i32 to vector<16xi32>
    %select_n3A_393 = arith.select %ge3A_388, %broadcast_in_dim3A_391, %broadcast_in_dim3A_392 : vector<16xi1>, vector<16xi32>
    %add3A_394 = arith.addi %add3A_385, %select_n3A_393 : vector<16xi32>
    %mul3A_395 = arith.constant 1310720 : i32
    %mul3A_396 = vector.broadcast %mul3A_395 : i32 to vector<16xi32>
    %mul3A_397 = arith.muli %add3A_394, %mul3A_396 : vector<16xi32>
    %mul3A_398 = arith.constant 16384 : i32
    %mul3A_399 = vector.broadcast %mul3A_398 : i32 to vector<16xi32>
    %mul3A_400 = arith.muli %get3A_326, %mul3A_399 : vector<16xi32>
    %add3A_401 = arith.addi %mul3A_397, %mul3A_400 : vector<16xi32>
    %add3A_402 = arith.addi %add3A_401, %get3A_323 : vector<16xi32>
    %jit3A_403 = arith.constant 0 : i32
    %broadcast_in_dim3A_404 = vector.broadcast %jit3A_403 : i32 to vector<16xi32>
    %select_n3A_405 = arith.select %ge3A_320, %add3A_402, %broadcast_in_dim3A_404 : vector<16xi1>, vector<16xi32>
    %swap3A_406 = arith.constant 48 : index
    %swap3A_407 = tpu.vector_load %arg9[%swap3A_406] {strides = array<i32>} : memref<256xi32, #tpu.memory_space<vmem>>, vector<16xi32>,
    %swap3A_408 = vector.shape_cast %swap3A_407 : vector<16xi32> to vector<16xi32>
    %swap3A_409 = vector.shape_cast %select_n3A_405 : vector<16xi32> to vector<16xi32>
    tpu.vector_store %arg9[%swap3A_406], %swap3A_409 {strides = array<i32>} : memref<256xi32, #tpu.memory_space<vmem>>, vector<16xi32>,
    %jit3A_410 = arith.constant 0 : i32
    %broadcast_in_dim3A_411 = vector.broadcast %jit3A_410 : i32 to vector<16xi32>
    %select_n3A_412 = arith.select %ge3A_320, %get3A_329, %broadcast_in_dim3A_411 : vector<16xi1>, vector<16xi32>
    %swap3A_413 = arith.constant 48 : index
    %swap3A_414 = tpu.vector_load %arg10[%swap3A_413] {strides = array<i32>} : memref<256xi32, #tpu.memory_space<vmem>>, vector<16xi32>,
    %swap3A_415 = vector.shape_cast %swap3A_414 : vector<16xi32> to vector<16xi32>
    %swap3A_416 = vector.shape_cast %select_n3A_412 : vector<16xi32> to vector<16xi32>
    tpu.vector_store %arg10[%swap3A_413], %swap3A_416 {strides = array<i32>} : memref<256xi32, #tpu.memory_space<vmem>>, vector<16xi32>,
    %iota3A_417 = tpu.iota {dimensions = array<i32: 0>} : vector<16xi32>
    %add3A_418 = arith.constant 64 : i32
    %add3A_419 = vector.broadcast %add3A_418 : i32 to vector<16xi32>
    %add3A_420 = arith.addi %add3A_419, %iota3A_417 : vector<16xi32>
    %add3A_421 = vector.broadcast %multiple_of3A : i32 to vector<16xi32>
    %add3A_422 = arith.addi %add3A_421, %add3A_420 : vector<16xi32>
    %ge3A_423 = vector.broadcast %mul3A_2 : i32 to vector<16xi32>
    %ge3A_424 = arith.cmpi sge, %add3A_422, %ge3A_423 : vector<16xi32>
    %get3A_425 = arith.constant 64 : index
    %get3A_426 = tpu.vector_load %arg6[%get3A_425] {strides = array<i32>} : memref<256xi32, #tpu.memory_space<vmem>>, vector<16xi32>,
    %get3A_427 = vector.shape_cast %get3A_426 : vector<16xi32> to vector<16xi32>
    %get3A_428 = arith.constant 64 : index
    %get3A_429 = tpu.vector_load %arg7[%get3A_428] {strides = array<i32>} : memref<256xi32, #tpu.memory_space<vmem>>, vector<16xi32>,
    %get3A_430 = vector.shape_cast %get3A_429 : vector<16xi32> to vector<16xi32>
    %get3A_431 = arith.constant 64 : index
    %get3A_432 = tpu.vector_load %arg8[%get3A_431] {strides = array<i32>} : memref<256xi32, #tpu.memory_space<vmem>>, vector<16xi32>,
    %get3A_433 = vector.shape_cast %get3A_432 : vector<16xi32> to vector<16xi32>
    %broadcast_in_dim3A_434 = arith.constant 0 : i32
    %broadcast_in_dim3A_435 = vector.broadcast %broadcast_in_dim3A_434 : i32 to vector<16xi32>
    %ge3A_436 = arith.constant 500 : i32
    %ge3A_437 = vector.broadcast %ge3A_436 : i32 to vector<16xi32>
    %ge3A_438 = arith.cmpi sge, %add3A_422, %ge3A_437 : vector<16xi32>
    %jit3A_439 = arith.constant 1 : i32
    %jit3A_440 = arith.constant 0 : i32
    %broadcast_in_dim3A_441 = vector.broadcast %jit3A_439 : i32 to vector<16xi32>
    %broadcast_in_dim3A_442 = vector.broadcast %jit3A_440 : i32 to vector<16xi32>
    %select_n3A_443 = arith.select %ge3A_438, %broadcast_in_dim3A_441, %broadcast_in_dim3A_442 : vector<16xi1>, vector<16xi32>
    %add3A_444 = arith.addi %broadcast_in_dim3A_435, %select_n3A_443 : vector<16xi32>
    %ge3A_445 = arith.constant 1000 : i32
    %ge3A_446 = vector.broadcast %ge3A_445 : i32 to vector<16xi32>
    %ge3A_447 = arith.cmpi sge, %add3A_422, %ge3A_446 : vector<16xi32>
    %jit3A_448 = arith.constant 1 : i32
    %jit3A_449 = arith.constant 0 : i32
    %broadcast_in_dim3A_450 = vector.broadcast %jit3A_448 : i32 to vector<16xi32>
    %broadcast_in_dim3A_451 = vector.broadcast %jit3A_449 : i32 to vector<16xi32>
    %select_n3A_452 = arith.select %ge3A_447, %broadcast_in_dim3A_450, %broadcast_in_dim3A_451 : vector<16xi1>, vector<16xi32>
    %add3A_453 = arith.addi %add3A_444, %select_n3A_452 : vector<16xi32>
    %ge3A_454 = arith.constant 1500 : i32
    %ge3A_455 = vector.broadcast %ge3A_454 : i32 to vector<16xi32>
    %ge3A_456 = arith.cmpi sge, %add3A_422, %ge3A_455 : vector<16xi32>
    %jit3A_457 = arith.constant 1 : i32
    %jit3A_458 = arith.constant 0 : i32
    %broadcast_in_dim3A_459 = vector.broadcast %jit3A_457 : i32 to vector<16xi32>
    %broadcast_in_dim3A_460 = vector.broadcast %jit3A_458 : i32 to vector<16xi32>
    %select_n3A_461 = arith.select %ge3A_456, %broadcast_in_dim3A_459, %broadcast_in_dim3A_460 : vector<16xi1>, vector<16xi32>
    %add3A_462 = arith.addi %add3A_453, %select_n3A_461 : vector<16xi32>
    %ge3A_463 = arith.constant 2000 : i32
    %ge3A_464 = vector.broadcast %ge3A_463 : i32 to vector<16xi32>
    %ge3A_465 = arith.cmpi sge, %add3A_422, %ge3A_464 : vector<16xi32>
    %jit3A_466 = arith.constant 1 : i32
    %jit3A_467 = arith.constant 0 : i32
    %broadcast_in_dim3A_468 = vector.broadcast %jit3A_466 : i32 to vector<16xi32>
    %broadcast_in_dim3A_469 = vector.broadcast %jit3A_467 : i32 to vector<16xi32>
    %select_n3A_470 = arith.select %ge3A_465, %broadcast_in_dim3A_468, %broadcast_in_dim3A_469 : vector<16xi1>, vector<16xi32>
    %add3A_471 = arith.addi %add3A_462, %select_n3A_470 : vector<16xi32>
    %ge3A_472 = arith.constant 2500 : i32
    %ge3A_473 = vector.broadcast %ge3A_472 : i32 to vector<16xi32>
    %ge3A_474 = arith.cmpi sge, %add3A_422, %ge3A_473 : vector<16xi32>
    %jit3A_475 = arith.constant 1 : i32
    %jit3A_476 = arith.constant 0 : i32
    %broadcast_in_dim3A_477 = vector.broadcast %jit3A_475 : i32 to vector<16xi32>
    %broadcast_in_dim3A_478 = vector.broadcast %jit3A_476 : i32 to vector<16xi32>
    %select_n3A_479 = arith.select %ge3A_474, %broadcast_in_dim3A_477, %broadcast_in_dim3A_478 : vector<16xi1>, vector<16xi32>
    %add3A_480 = arith.addi %add3A_471, %select_n3A_479 : vector<16xi32>
    %ge3A_481 = arith.constant 3000 : i32
    %ge3A_482 = vector.broadcast %ge3A_481 : i32 to vector<16xi32>
    %ge3A_483 = arith.cmpi sge, %add3A_422, %ge3A_482 : vector<16xi32>
    %jit3A_484 = arith.constant 1 : i32
    %jit3A_485 = arith.constant 0 : i32
    %broadcast_in_dim3A_486 = vector.broadcast %jit3A_484 : i32 to vector<16xi32>
    %broadcast_in_dim3A_487 = vector.broadcast %jit3A_485 : i32 to vector<16xi32>
    %select_n3A_488 = arith.select %ge3A_483, %broadcast_in_dim3A_486, %broadcast_in_dim3A_487 : vector<16xi1>, vector<16xi32>
    %add3A_489 = arith.addi %add3A_480, %select_n3A_488 : vector<16xi32>
    %ge3A_490 = arith.constant 3500 : i32
    %ge3A_491 = vector.broadcast %ge3A_490 : i32 to vector<16xi32>
    %ge3A_492 = arith.cmpi sge, %add3A_422, %ge3A_491 : vector<16xi32>
    %jit3A_493 = arith.constant 1 : i32
    %jit3A_494 = arith.constant 0 : i32
    %broadcast_in_dim3A_495 = vector.broadcast %jit3A_493 : i32 to vector<16xi32>
    %broadcast_in_dim3A_496 = vector.broadcast %jit3A_494 : i32 to vector<16xi32>
    %select_n3A_497 = arith.select %ge3A_492, %broadcast_in_dim3A_495, %broadcast_in_dim3A_496 : vector<16xi1>, vector<16xi32>
    %add3A_498 = arith.addi %add3A_489, %select_n3A_497 : vector<16xi32>
    %mul3A_499 = arith.constant 1310720 : i32
    %mul3A_500 = vector.broadcast %mul3A_499 : i32 to vector<16xi32>
    %mul3A_501 = arith.muli %add3A_498, %mul3A_500 : vector<16xi32>
    %mul3A_502 = arith.constant 16384 : i32
    %mul3A_503 = vector.broadcast %mul3A_502 : i32 to vector<16xi32>
    %mul3A_504 = arith.muli %get3A_430, %mul3A_503 : vector<16xi32>
    %add3A_505 = arith.addi %mul3A_501, %mul3A_504 : vector<16xi32>
    %add3A_506 = arith.addi %add3A_505, %get3A_427 : vector<16xi32>
    %jit3A_507 = arith.constant 0 : i32
    %broadcast_in_dim3A_508 = vector.broadcast %jit3A_507 : i32 to vector<16xi32>
    %select_n3A_509 = arith.select %ge3A_424, %add3A_506, %broadcast_in_dim3A_508 : vector<16xi1>, vector<16xi32>
    %swap3A_510 = arith.constant 64 : index
    %swap3A_511 = tpu.vector_load %arg9[%swap3A_510] {strides = array<i32>} : memref<256xi32, #tpu.memory_space<vmem>>, vector<16xi32>,
    %swap3A_512 = vector.shape_cast %swap3A_511 : vector<16xi32> to vector<16xi32>
    %swap3A_513 = vector.shape_cast %select_n3A_509 : vector<16xi32> to vector<16xi32>
    tpu.vector_store %arg9[%swap3A_510], %swap3A_513 {strides = array<i32>} : memref<256xi32, #tpu.memory_space<vmem>>, vector<16xi32>,
    %jit3A_514 = arith.constant 0 : i32
    %broadcast_in_dim3A_515 = vector.broadcast %jit3A_514 : i32 to vector<16xi32>
    %select_n3A_516 = arith.select %ge3A_424, %get3A_433, %broadcast_in_dim3A_515 : vector<16xi1>, vector<16xi32>
    %swap3A_517 = arith.constant 64 : index
    %swap3A_518 = tpu.vector_load %arg10[%swap3A_517] {strides = array<i32>} : memref<256xi32, #tpu.memory_space<vmem>>, vector<16xi32>,
    %swap3A_519 = vector.shape_cast %swap3A_518 : vector<16xi32> to vector<16xi32>
    %swap3A_520 = vector.shape_cast %select_n3A_516 : vector<16xi32> to vector<16xi32>
    tpu.vector_store %arg10[%swap3A_517], %swap3A_520 {strides = array<i32>} : memref<256xi32, #tpu.memory_space<vmem>>, vector<16xi32>,
    %iota3A_521 = tpu.iota {dimensions = array<i32: 0>} : vector<16xi32>
    %add3A_522 = arith.constant 80 : i32
    %add3A_523 = vector.broadcast %add3A_522 : i32 to vector<16xi32>
    %add3A_524 = arith.addi %add3A_523, %iota3A_521 : vector<16xi32>
    %add3A_525 = vector.broadcast %multiple_of3A : i32 to vector<16xi32>
    %add3A_526 = arith.addi %add3A_525, %add3A_524 : vector<16xi32>
    %ge3A_527 = vector.broadcast %mul3A_2 : i32 to vector<16xi32>
    %ge3A_528 = arith.cmpi sge, %add3A_526, %ge3A_527 : vector<16xi32>
    %get3A_529 = arith.constant 80 : index
    %get3A_530 = tpu.vector_load %arg6[%get3A_529] {strides = array<i32>} : memref<256xi32, #tpu.memory_space<vmem>>, vector<16xi32>,
    %get3A_531 = vector.shape_cast %get3A_530 : vector<16xi32> to vector<16xi32>
    %get3A_532 = arith.constant 80 : index
    %get3A_533 = tpu.vector_load %arg7[%get3A_532] {strides = array<i32>} : memref<256xi32, #tpu.memory_space<vmem>>, vector<16xi32>,
    %get3A_534 = vector.shape_cast %get3A_533 : vector<16xi32> to vector<16xi32>
    %get3A_535 = arith.constant 80 : index
    %get3A_536 = tpu.vector_load %arg8[%get3A_535] {strides = array<i32>} : memref<256xi32, #tpu.memory_space<vmem>>, vector<16xi32>,
    %get3A_537 = vector.shape_cast %get3A_536 : vector<16xi32> to vector<16xi32>
    %broadcast_in_dim3A_538 = arith.constant 0 : i32
    %broadcast_in_dim3A_539 = vector.broadcast %broadcast_in_dim3A_538 : i32 to vector<16xi32>
    %ge3A_540 = arith.constant 500 : i32
    %ge3A_541 = vector.broadcast %ge3A_540 : i32 to vector<16xi32>
    %ge3A_542 = arith.cmpi sge, %add3A_526, %ge3A_541 : vector<16xi32>
    %jit3A_543 = arith.constant 1 : i32
    %jit3A_544 = arith.constant 0 : i32
    %broadcast_in_dim3A_545 = vector.broadcast %jit3A_543 : i32 to vector<16xi32>
    %broadcast_in_dim3A_546 = vector.broadcast %jit3A_544 : i32 to vector<16xi32>
    %select_n3A_547 = arith.select %ge3A_542, %broadcast_in_dim3A_545, %broadcast_in_dim3A_546 : vector<16xi1>, vector<16xi32>
    %add3A_548 = arith.addi %broadcast_in_dim3A_539, %select_n3A_547 : vector<16xi32>
    %ge3A_549 = arith.constant 1000 : i32
    %ge3A_550 = vector.broadcast %ge3A_549 : i32 to vector<16xi32>
    %ge3A_551 = arith.cmpi sge, %add3A_526, %ge3A_550 : vector<16xi32>
    %jit3A_552 = arith.constant 1 : i32
    %jit3A_553 = arith.constant 0 : i32
    %broadcast_in_dim3A_554 = vector.broadcast %jit3A_552 : i32 to vector<16xi32>
    %broadcast_in_dim3A_555 = vector.broadcast %jit3A_553 : i32 to vector<16xi32>
    %select_n3A_556 = arith.select %ge3A_551, %broadcast_in_dim3A_554, %broadcast_in_dim3A_555 : vector<16xi1>, vector<16xi32>
    %add3A_557 = arith.addi %add3A_548, %select_n3A_556 : vector<16xi32>
    %ge3A_558 = arith.constant 1500 : i32
    %ge3A_559 = vector.broadcast %ge3A_558 : i32 to vector<16xi32>
    %ge3A_560 = arith.cmpi sge, %add3A_526, %ge3A_559 : vector<16xi32>
    %jit3A_561 = arith.constant 1 : i32
    %jit3A_562 = arith.constant 0 : i32
    %broadcast_in_dim3A_563 = vector.broadcast %jit3A_561 : i32 to vector<16xi32>
    %broadcast_in_dim3A_564 = vector.broadcast %jit3A_562 : i32 to vector<16xi32>
    %select_n3A_565 = arith.select %ge3A_560, %broadcast_in_dim3A_563, %broadcast_in_dim3A_564 : vector<16xi1>, vector<16xi32>
    %add3A_566 = arith.addi %add3A_557, %select_n3A_565 : vector<16xi32>
    %ge3A_567 = arith.constant 2000 : i32
    %ge3A_568 = vector.broadcast %ge3A_567 : i32 to vector<16xi32>
    %ge3A_569 = arith.cmpi sge, %add3A_526, %ge3A_568 : vector<16xi32>
    %jit3A_570 = arith.constant 1 : i32
    %jit3A_571 = arith.constant 0 : i32
    %broadcast_in_dim3A_572 = vector.broadcast %jit3A_570 : i32 to vector<16xi32>
    %broadcast_in_dim3A_573 = vector.broadcast %jit3A_571 : i32 to vector<16xi32>
    %select_n3A_574 = arith.select %ge3A_569, %broadcast_in_dim3A_572, %broadcast_in_dim3A_573 : vector<16xi1>, vector<16xi32>
    %add3A_575 = arith.addi %add3A_566, %select_n3A_574 : vector<16xi32>
    %ge3A_576 = arith.constant 2500 : i32
    %ge3A_577 = vector.broadcast %ge3A_576 : i32 to vector<16xi32>
    %ge3A_578 = arith.cmpi sge, %add3A_526, %ge3A_577 : vector<16xi32>
    %jit3A_579 = arith.constant 1 : i32
    %jit3A_580 = arith.constant 0 : i32
    %broadcast_in_dim3A_581 = vector.broadcast %jit3A_579 : i32 to vector<16xi32>
    %broadcast_in_dim3A_582 = vector.broadcast %jit3A_580 : i32 to vector<16xi32>
    %select_n3A_583 = arith.select %ge3A_578, %broadcast_in_dim3A_581, %broadcast_in_dim3A_582 : vector<16xi1>, vector<16xi32>
    %add3A_584 = arith.addi %add3A_575, %select_n3A_583 : vector<16xi32>
    %ge3A_585 = arith.constant 3000 : i32
    %ge3A_586 = vector.broadcast %ge3A_585 : i32 to vector<16xi32>
    %ge3A_587 = arith.cmpi sge, %add3A_526, %ge3A_586 : vector<16xi32>
    %jit3A_588 = arith.constant 1 : i32
    %jit3A_589 = arith.constant 0 : i32
    %broadcast_in_dim3A_590 = vector.broadcast %jit3A_588 : i32 to vector<16xi32>
    %broadcast_in_dim3A_591 = vector.broadcast %jit3A_589 : i32 to vector<16xi32>
    %select_n3A_592 = arith.select %ge3A_587, %broadcast_in_dim3A_590, %broadcast_in_dim3A_591 : vector<16xi1>, vector<16xi32>
    %add3A_593 = arith.addi %add3A_584, %select_n3A_592 : vector<16xi32>
    %ge3A_594 = arith.constant 3500 : i32
    %ge3A_595 = vector.broadcast %ge3A_594 : i32 to vector<16xi32>
    %ge3A_596 = arith.cmpi sge, %add3A_526, %ge3A_595 : vector<16xi32>
    %jit3A_597 = arith.constant 1 : i32
    %jit3A_598 = arith.constant 0 : i32
    %broadcast_in_dim3A_599 = vector.broadcast %jit3A_597 : i32 to vector<16xi32>
    %broadcast_in_dim3A_600 = vector.broadcast %jit3A_598 : i32 to vector<16xi32>
    %select_n3A_601 = arith.select %ge3A_596, %broadcast_in_dim3A_599, %broadcast_in_dim3A_600 : vector<16xi1>, vector<16xi32>
    %add3A_602 = arith.addi %add3A_593, %select_n3A_601 : vector<16xi32>
    %mul3A_603 = arith.constant 1310720 : i32
    %mul3A_604 = vector.broadcast %mul3A_603 : i32 to vector<16xi32>
    %mul3A_605 = arith.muli %add3A_602, %mul3A_604 : vector<16xi32>
    %mul3A_606 = arith.constant 16384 : i32
    %mul3A_607 = vector.broadcast %mul3A_606 : i32 to vector<16xi32>
    %mul3A_608 = arith.muli %get3A_534, %mul3A_607 : vector<16xi32>
    %add3A_609 = arith.addi %mul3A_605, %mul3A_608 : vector<16xi32>
    %add3A_610 = arith.addi %add3A_609, %get3A_531 : vector<16xi32>
    %jit3A_611 = arith.constant 0 : i32
    %broadcast_in_dim3A_612 = vector.broadcast %jit3A_611 : i32 to vector<16xi32>
    %select_n3A_613 = arith.select %ge3A_528, %add3A_610, %broadcast_in_dim3A_612 : vector<16xi1>, vector<16xi32>
    %swap3A_614 = arith.constant 80 : index
    %swap3A_615 = tpu.vector_load %arg9[%swap3A_614] {strides = array<i32>} : memref<256xi32, #tpu.memory_space<vmem>>, vector<16xi32>,
    %swap3A_616 = vector.shape_cast %swap3A_615 : vector<16xi32> to vector<16xi32>
    %swap3A_617 = vector.shape_cast %select_n3A_613 : vector<16xi32> to vector<16xi32>
    tpu.vector_store %arg9[%swap3A_614], %swap3A_617 {strides = array<i32>} : memref<256xi32, #tpu.memory_space<vmem>>, vector<16xi32>,
    %jit3A_618 = arith.constant 0 : i32
    %broadcast_in_dim3A_619 = vector.broadcast %jit3A_618 : i32 to vector<16xi32>
    %select_n3A_620 = arith.select %ge3A_528, %get3A_537, %broadcast_in_dim3A_619 : vector<16xi1>, vector<16xi32>
    %swap3A_621 = arith.constant 80 : index
    %swap3A_622 = tpu.vector_load %arg10[%swap3A_621] {strides = array<i32>} : memref<256xi32, #tpu.memory_space<vmem>>, vector<16xi32>,
    %swap3A_623 = vector.shape_cast %swap3A_622 : vector<16xi32> to vector<16xi32>
    %swap3A_624 = vector.shape_cast %select_n3A_620 : vector<16xi32> to vector<16xi32>
    tpu.vector_store %arg10[%swap3A_621], %swap3A_624 {strides = array<i32>} : memref<256xi32, #tpu.memory_space<vmem>>, vector<16xi32>,
    %iota3A_625 = tpu.iota {dimensions = array<i32: 0>} : vector<16xi32>
    %add3A_626 = arith.constant 96 : i32
    %add3A_627 = vector.broadcast %add3A_626 : i32 to vector<16xi32>
    %add3A_628 = arith.addi %add3A_627, %iota3A_625 : vector<16xi32>
    %add3A_629 = vector.broadcast %multiple_of3A : i32 to vector<16xi32>
    %add3A_630 = arith.addi %add3A_629, %add3A_628 : vector<16xi32>
    %ge3A_631 = vector.broadcast %mul3A_2 : i32 to vector<16xi32>
    %ge3A_632 = arith.cmpi sge, %add3A_630, %ge3A_631 : vector<16xi32>
    %get3A_633 = arith.constant 96 : index
    %get3A_634 = tpu.vector_load %arg6[%get3A_633] {strides = array<i32>} : memref<256xi32, #tpu.memory_space<vmem>>, vector<16xi32>,
    %get3A_635 = vector.shape_cast %get3A_634 : vector<16xi32> to vector<16xi32>
    %get3A_636 = arith.constant 96 : index
    %get3A_637 = tpu.vector_load %arg7[%get3A_636] {strides = array<i32>} : memref<256xi32, #tpu.memory_space<vmem>>, vector<16xi32>,
    %get3A_638 = vector.shape_cast %get3A_637 : vector<16xi32> to vector<16xi32>
    %get3A_639 = arith.constant 96 : index
    %get3A_640 = tpu.vector_load %arg8[%get3A_639] {strides = array<i32>} : memref<256xi32, #tpu.memory_space<vmem>>, vector<16xi32>,
    %get3A_641 = vector.shape_cast %get3A_640 : vector<16xi32> to vector<16xi32>
    %broadcast_in_dim3A_642 = arith.constant 0 : i32
    %broadcast_in_dim3A_643 = vector.broadcast %broadcast_in_dim3A_642 : i32 to vector<16xi32>
    %ge3A_644 = arith.constant 500 : i32
    %ge3A_645 = vector.broadcast %ge3A_644 : i32 to vector<16xi32>
    %ge3A_646 = arith.cmpi sge, %add3A_630, %ge3A_645 : vector<16xi32>
    %jit3A_647 = arith.constant 1 : i32
    %jit3A_648 = arith.constant 0 : i32
    %broadcast_in_dim3A_649 = vector.broadcast %jit3A_647 : i32 to vector<16xi32>
    %broadcast_in_dim3A_650 = vector.broadcast %jit3A_648 : i32 to vector<16xi32>
    %select_n3A_651 = arith.select %ge3A_646, %broadcast_in_dim3A_649, %broadcast_in_dim3A_650 : vector<16xi1>, vector<16xi32>
    %add3A_652 = arith.addi %broadcast_in_dim3A_643, %select_n3A_651 : vector<16xi32>
    %ge3A_653 = arith.constant 1000 : i32
    %ge3A_654 = vector.broadcast %ge3A_653 : i32 to vector<16xi32>
    %ge3A_655 = arith.cmpi sge, %add3A_630, %ge3A_654 : vector<16xi32>
    %jit3A_656 = arith.constant 1 : i32
    %jit3A_657 = arith.constant 0 : i32
    %broadcast_in_dim3A_658 = vector.broadcast %jit3A_656 : i32 to vector<16xi32>
    %broadcast_in_dim3A_659 = vector.broadcast %jit3A_657 : i32 to vector<16xi32>
    %select_n3A_660 = arith.select %ge3A_655, %broadcast_in_dim3A_658, %broadcast_in_dim3A_659 : vector<16xi1>, vector<16xi32>
    %add3A_661 = arith.addi %add3A_652, %select_n3A_660 : vector<16xi32>
    %ge3A_662 = arith.constant 1500 : i32
    %ge3A_663 = vector.broadcast %ge3A_662 : i32 to vector<16xi32>
    %ge3A_664 = arith.cmpi sge, %add3A_630, %ge3A_663 : vector<16xi32>
    %jit3A_665 = arith.constant 1 : i32
    %jit3A_666 = arith.constant 0 : i32
    %broadcast_in_dim3A_667 = vector.broadcast %jit3A_665 : i32 to vector<16xi32>
    %broadcast_in_dim3A_668 = vector.broadcast %jit3A_666 : i32 to vector<16xi32>
    %select_n3A_669 = arith.select %ge3A_664, %broadcast_in_dim3A_667, %broadcast_in_dim3A_668 : vector<16xi1>, vector<16xi32>
    %add3A_670 = arith.addi %add3A_661, %select_n3A_669 : vector<16xi32>
    %ge3A_671 = arith.constant 2000 : i32
    %ge3A_672 = vector.broadcast %ge3A_671 : i32 to vector<16xi32>
    %ge3A_673 = arith.cmpi sge, %add3A_630, %ge3A_672 : vector<16xi32>
    %jit3A_674 = arith.constant 1 : i32
    %jit3A_675 = arith.constant 0 : i32
    %broadcast_in_dim3A_676 = vector.broadcast %jit3A_674 : i32 to vector<16xi32>
    %broadcast_in_dim3A_677 = vector.broadcast %jit3A_675 : i32 to vector<16xi32>
    %select_n3A_678 = arith.select %ge3A_673, %broadcast_in_dim3A_676, %broadcast_in_dim3A_677 : vector<16xi1>, vector<16xi32>
    %add3A_679 = arith.addi %add3A_670, %select_n3A_678 : vector<16xi32>
    %ge3A_680 = arith.constant 2500 : i32
    %ge3A_681 = vector.broadcast %ge3A_680 : i32 to vector<16xi32>
    %ge3A_682 = arith.cmpi sge, %add3A_630, %ge3A_681 : vector<16xi32>
    %jit3A_683 = arith.constant 1 : i32
    %jit3A_684 = arith.constant 0 : i32
    %broadcast_in_dim3A_685 = vector.broadcast %jit3A_683 : i32 to vector<16xi32>
    %broadcast_in_dim3A_686 = vector.broadcast %jit3A_684 : i32 to vector<16xi32>
    %select_n3A_687 = arith.select %ge3A_682, %broadcast_in_dim3A_685, %broadcast_in_dim3A_686 : vector<16xi1>, vector<16xi32>
    %add3A_688 = arith.addi %add3A_679, %select_n3A_687 : vector<16xi32>
    %ge3A_689 = arith.constant 3000 : i32
    %ge3A_690 = vector.broadcast %ge3A_689 : i32 to vector<16xi32>
    %ge3A_691 = arith.cmpi sge, %add3A_630, %ge3A_690 : vector<16xi32>
    %jit3A_692 = arith.constant 1 : i32
    %jit3A_693 = arith.constant 0 : i32
    %broadcast_in_dim3A_694 = vector.broadcast %jit3A_692 : i32 to vector<16xi32>
    %broadcast_in_dim3A_695 = vector.broadcast %jit3A_693 : i32 to vector<16xi32>
    %select_n3A_696 = arith.select %ge3A_691, %broadcast_in_dim3A_694, %broadcast_in_dim3A_695 : vector<16xi1>, vector<16xi32>
    %add3A_697 = arith.addi %add3A_688, %select_n3A_696 : vector<16xi32>
    %ge3A_698 = arith.constant 3500 : i32
    %ge3A_699 = vector.broadcast %ge3A_698 : i32 to vector<16xi32>
    %ge3A_700 = arith.cmpi sge, %add3A_630, %ge3A_699 : vector<16xi32>
    %jit3A_701 = arith.constant 1 : i32
    %jit3A_702 = arith.constant 0 : i32
    %broadcast_in_dim3A_703 = vector.broadcast %jit3A_701 : i32 to vector<16xi32>
    %broadcast_in_dim3A_704 = vector.broadcast %jit3A_702 : i32 to vector<16xi32>
    %select_n3A_705 = arith.select %ge3A_700, %broadcast_in_dim3A_703, %broadcast_in_dim3A_704 : vector<16xi1>, vector<16xi32>
    %add3A_706 = arith.addi %add3A_697, %select_n3A_705 : vector<16xi32>
    %mul3A_707 = arith.constant 1310720 : i32
    %mul3A_708 = vector.broadcast %mul3A_707 : i32 to vector<16xi32>
    %mul3A_709 = arith.muli %add3A_706, %mul3A_708 : vector<16xi32>
    %mul3A_710 = arith.constant 16384 : i32
    %mul3A_711 = vector.broadcast %mul3A_710 : i32 to vector<16xi32>
    %mul3A_712 = arith.muli %get3A_638, %mul3A_711 : vector<16xi32>
    %add3A_713 = arith.addi %mul3A_709, %mul3A_712 : vector<16xi32>
    %add3A_714 = arith.addi %add3A_713, %get3A_635 : vector<16xi32>
    %jit3A_715 = arith.constant 0 : i32
    %broadcast_in_dim3A_716 = vector.broadcast %jit3A_715 : i32 to vector<16xi32>
    %select_n3A_717 = arith.select %ge3A_632, %add3A_714, %broadcast_in_dim3A_716 : vector<16xi1>, vector<16xi32>
    %swap3A_718 = arith.constant 96 : index
    %swap3A_719 = tpu.vector_load %arg9[%swap3A_718] {strides = array<i32>} : memref<256xi32, #tpu.memory_space<vmem>>, vector<16xi32>,
    %swap3A_720 = vector.shape_cast %swap3A_719 : vector<16xi32> to vector<16xi32>
    %swap3A_721 = vector.shape_cast %select_n3A_717 : vector<16xi32> to vector<16xi32>
    tpu.vector_store %arg9[%swap3A_718], %swap3A_721 {strides = array<i32>} : memref<256xi32, #tpu.memory_space<vmem>>, vector<16xi32>,
    %jit3A_722 = arith.constant 0 : i32
    %broadcast_in_dim3A_723 = vector.broadcast %jit3A_722 : i32 to vector<16xi32>
    %select_n3A_724 = arith.select %ge3A_632, %get3A_641, %broadcast_in_dim3A_723 : vector<16xi1>, vector<16xi32>
    %swap3A_725 = arith.constant 96 : index
    %swap3A_726 = tpu.vector_load %arg10[%swap3A_725] {strides = array<i32>} : memref<256xi32, #tpu.memory_space<vmem>>, vector<16xi32>,
    %swap3A_727 = vector.shape_cast %swap3A_726 : vector<16xi32> to vector<16xi32>
    %swap3A_728 = vector.shape_cast %select_n3A_724 : vector<16xi32> to vector<16xi32>
    tpu.vector_store %arg10[%swap3A_725], %swap3A_728 {strides = array<i32>} : memref<256xi32, #tpu.memory_space<vmem>>, vector<16xi32>,
    %iota3A_729 = tpu.iota {dimensions = array<i32: 0>} : vector<16xi32>
    %add3A_730 = arith.constant 112 : i32
    %add3A_731 = vector.broadcast %add3A_730 : i32 to vector<16xi32>
    %add3A_732 = arith.addi %add3A_731, %iota3A_729 : vector<16xi32>
    %add3A_733 = vector.broadcast %multiple_of3A : i32 to vector<16xi32>
    %add3A_734 = arith.addi %add3A_733, %add3A_732 : vector<16xi32>
    %ge3A_735 = vector.broadcast %mul3A_2 : i32 to vector<16xi32>
    %ge3A_736 = arith.cmpi sge, %add3A_734, %ge3A_735 : vector<16xi32>
    %get3A_737 = arith.constant 112 : index
    %get3A_738 = tpu.vector_load %arg6[%get3A_737] {strides = array<i32>} : memref<256xi32, #tpu.memory_space<vmem>>, vector<16xi32>,
    %get3A_739 = vector.shape_cast %get3A_738 : vector<16xi32> to vector<16xi32>
    %get3A_740 = arith.constant 112 : index
    %get3A_741 = tpu.vector_load %arg7[%get3A_740] {strides = array<i32>} : memref<256xi32, #tpu.memory_space<vmem>>, vector<16xi32>,
    %get3A_742 = vector.shape_cast %get3A_741 : vector<16xi32> to vector<16xi32>
    %get3A_743 = arith.constant 112 : index
    %get3A_744 = tpu.vector_load %arg8[%get3A_743] {strides = array<i32>} : memref<256xi32, #tpu.memory_space<vmem>>, vector<16xi32>,
    %get3A_745 = vector.shape_cast %get3A_744 : vector<16xi32> to vector<16xi32>
    %broadcast_in_dim3A_746 = arith.constant 0 : i32
    %broadcast_in_dim3A_747 = vector.broadcast %broadcast_in_dim3A_746 : i32 to vector<16xi32>
    %ge3A_748 = arith.constant 500 : i32
    %ge3A_749 = vector.broadcast %ge3A_748 : i32 to vector<16xi32>
    %ge3A_750 = arith.cmpi sge, %add3A_734, %ge3A_749 : vector<16xi32>
    %jit3A_751 = arith.constant 1 : i32
    %jit3A_752 = arith.constant 0 : i32
    %broadcast_in_dim3A_753 = vector.broadcast %jit3A_751 : i32 to vector<16xi32>
    %broadcast_in_dim3A_754 = vector.broadcast %jit3A_752 : i32 to vector<16xi32>
    %select_n3A_755 = arith.select %ge3A_750, %broadcast_in_dim3A_753, %broadcast_in_dim3A_754 : vector<16xi1>, vector<16xi32>
    %add3A_756 = arith.addi %broadcast_in_dim3A_747, %select_n3A_755 : vector<16xi32>
    %ge3A_757 = arith.constant 1000 : i32
    %ge3A_758 = vector.broadcast %ge3A_757 : i32 to vector<16xi32>
    %ge3A_759 = arith.cmpi sge, %add3A_734, %ge3A_758 : vector<16xi32>
    %jit3A_760 = arith.constant 1 : i32
    %jit3A_761 = arith.constant 0 : i32
    %broadcast_in_dim3A_762 = vector.broadcast %jit3A_760 : i32 to vector<16xi32>
    %broadcast_in_dim3A_763 = vector.broadcast %jit3A_761 : i32 to vector<16xi32>
    %select_n3A_764 = arith.select %ge3A_759, %broadcast_in_dim3A_762, %broadcast_in_dim3A_763 : vector<16xi1>, vector<16xi32>
    %add3A_765 = arith.addi %add3A_756, %select_n3A_764 : vector<16xi32>
    %ge3A_766 = arith.constant 1500 : i32
    %ge3A_767 = vector.broadcast %ge3A_766 : i32 to vector<16xi32>
    %ge3A_768 = arith.cmpi sge, %add3A_734, %ge3A_767 : vector<16xi32>
    %jit3A_769 = arith.constant 1 : i32
    %jit3A_770 = arith.constant 0 : i32
    %broadcast_in_dim3A_771 = vector.broadcast %jit3A_769 : i32 to vector<16xi32>
    %broadcast_in_dim3A_772 = vector.broadcast %jit3A_770 : i32 to vector<16xi32>
    %select_n3A_773 = arith.select %ge3A_768, %broadcast_in_dim3A_771, %broadcast_in_dim3A_772 : vector<16xi1>, vector<16xi32>
    %add3A_774 = arith.addi %add3A_765, %select_n3A_773 : vector<16xi32>
    %ge3A_775 = arith.constant 2000 : i32
    %ge3A_776 = vector.broadcast %ge3A_775 : i32 to vector<16xi32>
    %ge3A_777 = arith.cmpi sge, %add3A_734, %ge3A_776 : vector<16xi32>
    %jit3A_778 = arith.constant 1 : i32
    %jit3A_779 = arith.constant 0 : i32
    %broadcast_in_dim3A_780 = vector.broadcast %jit3A_778 : i32 to vector<16xi32>
    %broadcast_in_dim3A_781 = vector.broadcast %jit3A_779 : i32 to vector<16xi32>
    %select_n3A_782 = arith.select %ge3A_777, %broadcast_in_dim3A_780, %broadcast_in_dim3A_781 : vector<16xi1>, vector<16xi32>
    %add3A_783 = arith.addi %add3A_774, %select_n3A_782 : vector<16xi32>
    %ge3A_784 = arith.constant 2500 : i32
    %ge3A_785 = vector.broadcast %ge3A_784 : i32 to vector<16xi32>
    %ge3A_786 = arith.cmpi sge, %add3A_734, %ge3A_785 : vector<16xi32>
    %jit3A_787 = arith.constant 1 : i32
    %jit3A_788 = arith.constant 0 : i32
    %broadcast_in_dim3A_789 = vector.broadcast %jit3A_787 : i32 to vector<16xi32>
    %broadcast_in_dim3A_790 = vector.broadcast %jit3A_788 : i32 to vector<16xi32>
    %select_n3A_791 = arith.select %ge3A_786, %broadcast_in_dim3A_789, %broadcast_in_dim3A_790 : vector<16xi1>, vector<16xi32>
    %add3A_792 = arith.addi %add3A_783, %select_n3A_791 : vector<16xi32>
    %ge3A_793 = arith.constant 3000 : i32
    %ge3A_794 = vector.broadcast %ge3A_793 : i32 to vector<16xi32>
    %ge3A_795 = arith.cmpi sge, %add3A_734, %ge3A_794 : vector<16xi32>
    %jit3A_796 = arith.constant 1 : i32
    %jit3A_797 = arith.constant 0 : i32
    %broadcast_in_dim3A_798 = vector.broadcast %jit3A_796 : i32 to vector<16xi32>
    %broadcast_in_dim3A_799 = vector.broadcast %jit3A_797 : i32 to vector<16xi32>
    %select_n3A_800 = arith.select %ge3A_795, %broadcast_in_dim3A_798, %broadcast_in_dim3A_799 : vector<16xi1>, vector<16xi32>
    %add3A_801 = arith.addi %add3A_792, %select_n3A_800 : vector<16xi32>
    %ge3A_802 = arith.constant 3500 : i32
    %ge3A_803 = vector.broadcast %ge3A_802 : i32 to vector<16xi32>
    %ge3A_804 = arith.cmpi sge, %add3A_734, %ge3A_803 : vector<16xi32>
    %jit3A_805 = arith.constant 1 : i32
    %jit3A_806 = arith.constant 0 : i32
    %broadcast_in_dim3A_807 = vector.broadcast %jit3A_805 : i32 to vector<16xi32>
    %broadcast_in_dim3A_808 = vector.broadcast %jit3A_806 : i32 to vector<16xi32>
    %select_n3A_809 = arith.select %ge3A_804, %broadcast_in_dim3A_807, %broadcast_in_dim3A_808 : vector<16xi1>, vector<16xi32>
    %add3A_810 = arith.addi %add3A_801, %select_n3A_809 : vector<16xi32>
    %mul3A_811 = arith.constant 1310720 : i32
    %mul3A_812 = vector.broadcast %mul3A_811 : i32 to vector<16xi32>
    %mul3A_813 = arith.muli %add3A_810, %mul3A_812 : vector<16xi32>
    %mul3A_814 = arith.constant 16384 : i32
    %mul3A_815 = vector.broadcast %mul3A_814 : i32 to vector<16xi32>
    %mul3A_816 = arith.muli %get3A_742, %mul3A_815 : vector<16xi32>
    %add3A_817 = arith.addi %mul3A_813, %mul3A_816 : vector<16xi32>
    %add3A_818 = arith.addi %add3A_817, %get3A_739 : vector<16xi32>
    %jit3A_819 = arith.constant 0 : i32
    %broadcast_in_dim3A_820 = vector.broadcast %jit3A_819 : i32 to vector<16xi32>
    %select_n3A_821 = arith.select %ge3A_736, %add3A_818, %broadcast_in_dim3A_820 : vector<16xi1>, vector<16xi32>
    %swap3A_822 = arith.constant 112 : index
    %swap3A_823 = tpu.vector_load %arg9[%swap3A_822] {strides = array<i32>} : memref<256xi32, #tpu.memory_space<vmem>>, vector<16xi32>,
    %swap3A_824 = vector.shape_cast %swap3A_823 : vector<16xi32> to vector<16xi32>
    %swap3A_825 = vector.shape_cast %select_n3A_821 : vector<16xi32> to vector<16xi32>
    tpu.vector_store %arg9[%swap3A_822], %swap3A_825 {strides = array<i32>} : memref<256xi32, #tpu.memory_space<vmem>>, vector<16xi32>,
    %jit3A_826 = arith.constant 0 : i32
    %broadcast_in_dim3A_827 = vector.broadcast %jit3A_826 : i32 to vector<16xi32>
    %select_n3A_828 = arith.select %ge3A_736, %get3A_745, %broadcast_in_dim3A_827 : vector<16xi1>, vector<16xi32>
    %swap3A_829 = arith.constant 112 : index
    %swap3A_830 = tpu.vector_load %arg10[%swap3A_829] {strides = array<i32>} : memref<256xi32, #tpu.memory_space<vmem>>, vector<16xi32>,
    %swap3A_831 = vector.shape_cast %swap3A_830 : vector<16xi32> to vector<16xi32>
    %swap3A_832 = vector.shape_cast %select_n3A_828 : vector<16xi32> to vector<16xi32>
    tpu.vector_store %arg10[%swap3A_829], %swap3A_832 {strides = array<i32>} : memref<256xi32, #tpu.memory_space<vmem>>, vector<16xi32>,
    %iota3A_833 = tpu.iota {dimensions = array<i32: 0>} : vector<16xi32>
    %add3A_834 = arith.constant 128 : i32
    %add3A_835 = vector.broadcast %add3A_834 : i32 to vector<16xi32>
    %add3A_836 = arith.addi %add3A_835, %iota3A_833 : vector<16xi32>
    %add3A_837 = vector.broadcast %multiple_of3A : i32 to vector<16xi32>
    %add3A_838 = arith.addi %add3A_837, %add3A_836 : vector<16xi32>
    %ge3A_839 = vector.broadcast %mul3A_2 : i32 to vector<16xi32>
    %ge3A_840 = arith.cmpi sge, %add3A_838, %ge3A_839 : vector<16xi32>
    %get3A_841 = arith.constant 128 : index
    %get3A_842 = tpu.vector_load %arg6[%get3A_841] {strides = array<i32>} : memref<256xi32, #tpu.memory_space<vmem>>, vector<16xi32>,
    %get3A_843 = vector.shape_cast %get3A_842 : vector<16xi32> to vector<16xi32>
    %get3A_844 = arith.constant 128 : index
    %get3A_845 = tpu.vector_load %arg7[%get3A_844] {strides = array<i32>} : memref<256xi32, #tpu.memory_space<vmem>>, vector<16xi32>,
    %get3A_846 = vector.shape_cast %get3A_845 : vector<16xi32> to vector<16xi32>
    %get3A_847 = arith.constant 128 : index
    %get3A_848 = tpu.vector_load %arg8[%get3A_847] {strides = array<i32>} : memref<256xi32, #tpu.memory_space<vmem>>, vector<16xi32>,
    %get3A_849 = vector.shape_cast %get3A_848 : vector<16xi32> to vector<16xi32>
    %broadcast_in_dim3A_850 = arith.constant 0 : i32
    %broadcast_in_dim3A_851 = vector.broadcast %broadcast_in_dim3A_850 : i32 to vector<16xi32>
    %ge3A_852 = arith.constant 500 : i32
    %ge3A_853 = vector.broadcast %ge3A_852 : i32 to vector<16xi32>
    %ge3A_854 = arith.cmpi sge, %add3A_838, %ge3A_853 : vector<16xi32>
    %jit3A_855 = arith.constant 1 : i32
    %jit3A_856 = arith.constant 0 : i32
    %broadcast_in_dim3A_857 = vector.broadcast %jit3A_855 : i32 to vector<16xi32>
    %broadcast_in_dim3A_858 = vector.broadcast %jit3A_856 : i32 to vector<16xi32>
    %select_n3A_859 = arith.select %ge3A_854, %broadcast_in_dim3A_857, %broadcast_in_dim3A_858 : vector<16xi1>, vector<16xi32>
    %add3A_860 = arith.addi %broadcast_in_dim3A_851, %select_n3A_859 : vector<16xi32>
    %ge3A_861 = arith.constant 1000 : i32
    %ge3A_862 = vector.broadcast %ge3A_861 : i32 to vector<16xi32>
    %ge3A_863 = arith.cmpi sge, %add3A_838, %ge3A_862 : vector<16xi32>
    %jit3A_864 = arith.constant 1 : i32
    %jit3A_865 = arith.constant 0 : i32
    %broadcast_in_dim3A_866 = vector.broadcast %jit3A_864 : i32 to vector<16xi32>
    %broadcast_in_dim3A_867 = vector.broadcast %jit3A_865 : i32 to vector<16xi32>
    %select_n3A_868 = arith.select %ge3A_863, %broadcast_in_dim3A_866, %broadcast_in_dim3A_867 : vector<16xi1>, vector<16xi32>
    %add3A_869 = arith.addi %add3A_860, %select_n3A_868 : vector<16xi32>
    %ge3A_870 = arith.constant 1500 : i32
    %ge3A_871 = vector.broadcast %ge3A_870 : i32 to vector<16xi32>
    %ge3A_872 = arith.cmpi sge, %add3A_838, %ge3A_871 : vector<16xi32>
    %jit3A_873 = arith.constant 1 : i32
    %jit3A_874 = arith.constant 0 : i32
    %broadcast_in_dim3A_875 = vector.broadcast %jit3A_873 : i32 to vector<16xi32>
    %broadcast_in_dim3A_876 = vector.broadcast %jit3A_874 : i32 to vector<16xi32>
    %select_n3A_877 = arith.select %ge3A_872, %broadcast_in_dim3A_875, %broadcast_in_dim3A_876 : vector<16xi1>, vector<16xi32>
    %add3A_878 = arith.addi %add3A_869, %select_n3A_877 : vector<16xi32>
    %ge3A_879 = arith.constant 2000 : i32
    %ge3A_880 = vector.broadcast %ge3A_879 : i32 to vector<16xi32>
    %ge3A_881 = arith.cmpi sge, %add3A_838, %ge3A_880 : vector<16xi32>
    %jit3A_882 = arith.constant 1 : i32
    %jit3A_883 = arith.constant 0 : i32
    %broadcast_in_dim3A_884 = vector.broadcast %jit3A_882 : i32 to vector<16xi32>
    %broadcast_in_dim3A_885 = vector.broadcast %jit3A_883 : i32 to vector<16xi32>
    %select_n3A_886 = arith.select %ge3A_881, %broadcast_in_dim3A_884, %broadcast_in_dim3A_885 : vector<16xi1>, vector<16xi32>
    %add3A_887 = arith.addi %add3A_878, %select_n3A_886 : vector<16xi32>
    %ge3A_888 = arith.constant 2500 : i32
    %ge3A_889 = vector.broadcast %ge3A_888 : i32 to vector<16xi32>
    %ge3A_890 = arith.cmpi sge, %add3A_838, %ge3A_889 : vector<16xi32>
    %jit3A_891 = arith.constant 1 : i32
    %jit3A_892 = arith.constant 0 : i32
    %broadcast_in_dim3A_893 = vector.broadcast %jit3A_891 : i32 to vector<16xi32>
    %broadcast_in_dim3A_894 = vector.broadcast %jit3A_892 : i32 to vector<16xi32>
    %select_n3A_895 = arith.select %ge3A_890, %broadcast_in_dim3A_893, %broadcast_in_dim3A_894 : vector<16xi1>, vector<16xi32>
    %add3A_896 = arith.addi %add3A_887, %select_n3A_895 : vector<16xi32>
    %ge3A_897 = arith.constant 3000 : i32
    %ge3A_898 = vector.broadcast %ge3A_897 : i32 to vector<16xi32>
    %ge3A_899 = arith.cmpi sge, %add3A_838, %ge3A_898 : vector<16xi32>
    %jit3A_900 = arith.constant 1 : i32
    %jit3A_901 = arith.constant 0 : i32
    %broadcast_in_dim3A_902 = vector.broadcast %jit3A_900 : i32 to vector<16xi32>
    %broadcast_in_dim3A_903 = vector.broadcast %jit3A_901 : i32 to vector<16xi32>
    %select_n3A_904 = arith.select %ge3A_899, %broadcast_in_dim3A_902, %broadcast_in_dim3A_903 : vector<16xi1>, vector<16xi32>
    %add3A_905 = arith.addi %add3A_896, %select_n3A_904 : vector<16xi32>
    %ge3A_906 = arith.constant 3500 : i32
    %ge3A_907 = vector.broadcast %ge3A_906 : i32 to vector<16xi32>
    %ge3A_908 = arith.cmpi sge, %add3A_838, %ge3A_907 : vector<16xi32>
    %jit3A_909 = arith.constant 1 : i32
    %jit3A_910 = arith.constant 0 : i32
    %broadcast_in_dim3A_911 = vector.broadcast %jit3A_909 : i32 to vector<16xi32>
    %broadcast_in_dim3A_912 = vector.broadcast %jit3A_910 : i32 to vector<16xi32>
    %select_n3A_913 = arith.select %ge3A_908, %broadcast_in_dim3A_911, %broadcast_in_dim3A_912 : vector<16xi1>, vector<16xi32>
    %add3A_914 = arith.addi %add3A_905, %select_n3A_913 : vector<16xi32>
    %mul3A_915 = arith.constant 1310720 : i32
    %mul3A_916 = vector.broadcast %mul3A_915 : i32 to vector<16xi32>
    %mul3A_917 = arith.muli %add3A_914, %mul3A_916 : vector<16xi32>
    %mul3A_918 = arith.constant 16384 : i32
    %mul3A_919 = vector.broadcast %mul3A_918 : i32 to vector<16xi32>
    %mul3A_920 = arith.muli %get3A_846, %mul3A_919 : vector<16xi32>
    %add3A_921 = arith.addi %mul3A_917, %mul3A_920 : vector<16xi32>
    %add3A_922 = arith.addi %add3A_921, %get3A_843 : vector<16xi32>
    %jit3A_923 = arith.constant 0 : i32
    %broadcast_in_dim3A_924 = vector.broadcast %jit3A_923 : i32 to vector<16xi32>
    %select_n3A_925 = arith.select %ge3A_840, %add3A_922, %broadcast_in_dim3A_924 : vector<16xi1>, vector<16xi32>
    %swap3A_926 = arith.constant 128 : index
    %swap3A_927 = tpu.vector_load %arg9[%swap3A_926] {strides = array<i32>} : memref<256xi32, #tpu.memory_space<vmem>>, vector<16xi32>,
    %swap3A_928 = vector.shape_cast %swap3A_927 : vector<16xi32> to vector<16xi32>
    %swap3A_929 = vector.shape_cast %select_n3A_925 : vector<16xi32> to vector<16xi32>
    tpu.vector_store %arg9[%swap3A_926], %swap3A_929 {strides = array<i32>} : memref<256xi32, #tpu.memory_space<vmem>>, vector<16xi32>,
    %jit3A_930 = arith.constant 0 : i32
    %broadcast_in_dim3A_931 = vector.broadcast %jit3A_930 : i32 to vector<16xi32>
    %select_n3A_932 = arith.select %ge3A_840, %get3A_849, %broadcast_in_dim3A_931 : vector<16xi1>, vector<16xi32>
    %swap3A_933 = arith.constant 128 : index
    %swap3A_934 = tpu.vector_load %arg10[%swap3A_933] {strides = array<i32>} : memref<256xi32, #tpu.memory_space<vmem>>, vector<16xi32>,
    %swap3A_935 = vector.shape_cast %swap3A_934 : vector<16xi32> to vector<16xi32>
    %swap3A_936 = vector.shape_cast %select_n3A_932 : vector<16xi32> to vector<16xi32>
    tpu.vector_store %arg10[%swap3A_933], %swap3A_936 {strides = array<i32>} : memref<256xi32, #tpu.memory_space<vmem>>, vector<16xi32>,
    %iota3A_937 = tpu.iota {dimensions = array<i32: 0>} : vector<16xi32>
    %add3A_938 = arith.constant 144 : i32
    %add3A_939 = vector.broadcast %add3A_938 : i32 to vector<16xi32>
    %add3A_940 = arith.addi %add3A_939, %iota3A_937 : vector<16xi32>
    %add3A_941 = vector.broadcast %multiple_of3A : i32 to vector<16xi32>
    %add3A_942 = arith.addi %add3A_941, %add3A_940 : vector<16xi32>
    %ge3A_943 = vector.broadcast %mul3A_2 : i32 to vector<16xi32>
    %ge3A_944 = arith.cmpi sge, %add3A_942, %ge3A_943 : vector<16xi32>
    %get3A_945 = arith.constant 144 : index
    %get3A_946 = tpu.vector_load %arg6[%get3A_945] {strides = array<i32>} : memref<256xi32, #tpu.memory_space<vmem>>, vector<16xi32>,
    %get3A_947 = vector.shape_cast %get3A_946 : vector<16xi32> to vector<16xi32>
    %get3A_948 = arith.constant 144 : index
    %get3A_949 = tpu.vector_load %arg7[%get3A_948] {strides = array<i32>} : memref<256xi32, #tpu.memory_space<vmem>>, vector<16xi32>,
    %get3A_950 = vector.shape_cast %get3A_949 : vector<16xi32> to vector<16xi32>
    %get3A_951 = arith.constant 144 : index
    %get3A_952 = tpu.vector_load %arg8[%get3A_951] {strides = array<i32>} : memref<256xi32, #tpu.memory_space<vmem>>, vector<16xi32>,
    %get3A_953 = vector.shape_cast %get3A_952 : vector<16xi32> to vector<16xi32>
    %broadcast_in_dim3A_954 = arith.constant 0 : i32
    %broadcast_in_dim3A_955 = vector.broadcast %broadcast_in_dim3A_954 : i32 to vector<16xi32>
    %ge3A_956 = arith.constant 500 : i32
    %ge3A_957 = vector.broadcast %ge3A_956 : i32 to vector<16xi32>
    %ge3A_958 = arith.cmpi sge, %add3A_942, %ge3A_957 : vector<16xi32>
    %jit3A_959 = arith.constant 1 : i32
    %jit3A_960 = arith.constant 0 : i32
    %broadcast_in_dim3A_961 = vector.broadcast %jit3A_959 : i32 to vector<16xi32>
    %broadcast_in_dim3A_962 = vector.broadcast %jit3A_960 : i32 to vector<16xi32>
    %select_n3A_963 = arith.select %ge3A_958, %broadcast_in_dim3A_961, %broadcast_in_dim3A_962 : vector<16xi1>, vector<16xi32>
    %add3A_964 = arith.addi %broadcast_in_dim3A_955, %select_n3A_963 : vector<16xi32>
    %ge3A_965 = arith.constant 1000 : i32
    %ge3A_966 = vector.broadcast %ge3A_965 : i32 to vector<16xi32>
    %ge3A_967 = arith.cmpi sge, %add3A_942, %ge3A_966 : vector<16xi32>
    %jit3A_968 = arith.constant 1 : i32
    %jit3A_969 = arith.constant 0 : i32
    %broadcast_in_dim3A_970 = vector.broadcast %jit3A_968 : i32 to vector<16xi32>
    %broadcast_in_dim3A_971 = vector.broadcast %jit3A_969 : i32 to vector<16xi32>
    %select_n3A_972 = arith.select %ge3A_967, %broadcast_in_dim3A_970, %broadcast_in_dim3A_971 : vector<16xi1>, vector<16xi32>
    %add3A_973 = arith.addi %add3A_964, %select_n3A_972 : vector<16xi32>
    %ge3A_974 = arith.constant 1500 : i32
    %ge3A_975 = vector.broadcast %ge3A_974 : i32 to vector<16xi32>
    %ge3A_976 = arith.cmpi sge, %add3A_942, %ge3A_975 : vector<16xi32>
    %jit3A_977 = arith.constant 1 : i32
    %jit3A_978 = arith.constant 0 : i32
    %broadcast_in_dim3A_979 = vector.broadcast %jit3A_977 : i32 to vector<16xi32>
    %broadcast_in_dim3A_980 = vector.broadcast %jit3A_978 : i32 to vector<16xi32>
    %select_n3A_981 = arith.select %ge3A_976, %broadcast_in_dim3A_979, %broadcast_in_dim3A_980 : vector<16xi1>, vector<16xi32>
    %add3A_982 = arith.addi %add3A_973, %select_n3A_981 : vector<16xi32>
    %ge3A_983 = arith.constant 2000 : i32
    %ge3A_984 = vector.broadcast %ge3A_983 : i32 to vector<16xi32>
    %ge3A_985 = arith.cmpi sge, %add3A_942, %ge3A_984 : vector<16xi32>
    %jit3A_986 = arith.constant 1 : i32
    %jit3A_987 = arith.constant 0 : i32
    %broadcast_in_dim3A_988 = vector.broadcast %jit3A_986 : i32 to vector<16xi32>
    %broadcast_in_dim3A_989 = vector.broadcast %jit3A_987 : i32 to vector<16xi32>
    %select_n3A_990 = arith.select %ge3A_985, %broadcast_in_dim3A_988, %broadcast_in_dim3A_989 : vector<16xi1>, vector<16xi32>
    %add3A_991 = arith.addi %add3A_982, %select_n3A_990 : vector<16xi32>
    %ge3A_992 = arith.constant 2500 : i32
    %ge3A_993 = vector.broadcast %ge3A_992 : i32 to vector<16xi32>
    %ge3A_994 = arith.cmpi sge, %add3A_942, %ge3A_993 : vector<16xi32>
    %jit3A_995 = arith.constant 1 : i32
    %jit3A_996 = arith.constant 0 : i32
    %broadcast_in_dim3A_997 = vector.broadcast %jit3A_995 : i32 to vector<16xi32>
    %broadcast_in_dim3A_998 = vector.broadcast %jit3A_996 : i32 to vector<16xi32>
    %select_n3A_999 = arith.select %ge3A_994, %broadcast_in_dim3A_997, %broadcast_in_dim3A_998 : vector<16xi1>, vector<16xi32>
    %add3A_1000 = arith.addi %add3A_991, %select_n3A_999 : vector<16xi32>
    %ge3A_1001 = arith.constant 3000 : i32
    %ge3A_1002 = vector.broadcast %ge3A_1001 : i32 to vector<16xi32>
    %ge3A_1003 = arith.cmpi sge, %add3A_942, %ge3A_1002 : vector<16xi32>
    %jit3A_1004 = arith.constant 1 : i32
    %jit3A_1005 = arith.constant 0 : i32
    %broadcast_in_dim3A_1006 = vector.broadcast %jit3A_1004 : i32 to vector<16xi32>
    %broadcast_in_dim3A_1007 = vector.broadcast %jit3A_1005 : i32 to vector<16xi32>
    %select_n3A_1008 = arith.select %ge3A_1003, %broadcast_in_dim3A_1006, %broadcast_in_dim3A_1007 : vector<16xi1>, vector<16xi32>
    %add3A_1009 = arith.addi %add3A_1000, %select_n3A_1008 : vector<16xi32>
    %ge3A_1010 = arith.constant 3500 : i32
    %ge3A_1011 = vector.broadcast %ge3A_1010 : i32 to vector<16xi32>
    %ge3A_1012 = arith.cmpi sge, %add3A_942, %ge3A_1011 : vector<16xi32>
    %jit3A_1013 = arith.constant 1 : i32
    %jit3A_1014 = arith.constant 0 : i32
    %broadcast_in_dim3A_1015 = vector.broadcast %jit3A_1013 : i32 to vector<16xi32>
    %broadcast_in_dim3A_1016 = vector.broadcast %jit3A_1014 : i32 to vector<16xi32>
    %select_n3A_1017 = arith.select %ge3A_1012, %broadcast_in_dim3A_1015, %broadcast_in_dim3A_1016 : vector<16xi1>, vector<16xi32>
    %add3A_1018 = arith.addi %add3A_1009, %select_n3A_1017 : vector<16xi32>
    %mul3A_1019 = arith.constant 1310720 : i32
    %mul3A_1020 = vector.broadcast %mul3A_1019 : i32 to vector<16xi32>
    %mul3A_1021 = arith.muli %add3A_1018, %mul3A_1020 : vector<16xi32>
    %mul3A_1022 = arith.constant 16384 : i32
    %mul3A_1023 = vector.broadcast %mul3A_1022 : i32 to vector<16xi32>
    %mul3A_1024 = arith.muli %get3A_950, %mul3A_1023 : vector<16xi32>
    %add3A_1025 = arith.addi %mul3A_1021, %mul3A_1024 : vector<16xi32>
    %add3A_1026 = arith.addi %add3A_1025, %get3A_947 : vector<16xi32>
    %jit3A_1027 = arith.constant 0 : i32
    %broadcast_in_dim3A_1028 = vector.broadcast %jit3A_1027 : i32 to vector<16xi32>
    %select_n3A_1029 = arith.select %ge3A_944, %add3A_1026, %broadcast_in_dim3A_1028 : vector<16xi1>, vector<16xi32>
    %swap3A_1030 = arith.constant 144 : index
    %swap3A_1031 = tpu.vector_load %arg9[%swap3A_1030] {strides = array<i32>} : memref<256xi32, #tpu.memory_space<vmem>>, vector<16xi32>,
    %swap3A_1032 = vector.shape_cast %swap3A_1031 : vector<16xi32> to vector<16xi32>
    %swap3A_1033 = vector.shape_cast %select_n3A_1029 : vector<16xi32> to vector<16xi32>
    tpu.vector_store %arg9[%swap3A_1030], %swap3A_1033 {strides = array<i32>} : memref<256xi32, #tpu.memory_space<vmem>>, vector<16xi32>,
    %jit3A_1034 = arith.constant 0 : i32
    %broadcast_in_dim3A_1035 = vector.broadcast %jit3A_1034 : i32 to vector<16xi32>
    %select_n3A_1036 = arith.select %ge3A_944, %get3A_953, %broadcast_in_dim3A_1035 : vector<16xi1>, vector<16xi32>
    %swap3A_1037 = arith.constant 144 : index
    %swap3A_1038 = tpu.vector_load %arg10[%swap3A_1037] {strides = array<i32>} : memref<256xi32, #tpu.memory_space<vmem>>, vector<16xi32>,
    %swap3A_1039 = vector.shape_cast %swap3A_1038 : vector<16xi32> to vector<16xi32>
    %swap3A_1040 = vector.shape_cast %select_n3A_1036 : vector<16xi32> to vector<16xi32>
    tpu.vector_store %arg10[%swap3A_1037], %swap3A_1040 {strides = array<i32>} : memref<256xi32, #tpu.memory_space<vmem>>, vector<16xi32>,
    %iota3A_1041 = tpu.iota {dimensions = array<i32: 0>} : vector<16xi32>
    %add3A_1042 = arith.constant 160 : i32
    %add3A_1043 = vector.broadcast %add3A_1042 : i32 to vector<16xi32>
    %add3A_1044 = arith.addi %add3A_1043, %iota3A_1041 : vector<16xi32>
    %add3A_1045 = vector.broadcast %multiple_of3A : i32 to vector<16xi32>
    %add3A_1046 = arith.addi %add3A_1045, %add3A_1044 : vector<16xi32>
    %ge3A_1047 = vector.broadcast %mul3A_2 : i32 to vector<16xi32>
    %ge3A_1048 = arith.cmpi sge, %add3A_1046, %ge3A_1047 : vector<16xi32>
    %get3A_1049 = arith.constant 160 : index
    %get3A_1050 = tpu.vector_load %arg6[%get3A_1049] {strides = array<i32>} : memref<256xi32, #tpu.memory_space<vmem>>, vector<16xi32>,
    %get3A_1051 = vector.shape_cast %get3A_1050 : vector<16xi32> to vector<16xi32>
    %get3A_1052 = arith.constant 160 : index
    %get3A_1053 = tpu.vector_load %arg7[%get3A_1052] {strides = array<i32>} : memref<256xi32, #tpu.memory_space<vmem>>, vector<16xi32>,
    %get3A_1054 = vector.shape_cast %get3A_1053 : vector<16xi32> to vector<16xi32>
    %get3A_1055 = arith.constant 160 : index
    %get3A_1056 = tpu.vector_load %arg8[%get3A_1055] {strides = array<i32>} : memref<256xi32, #tpu.memory_space<vmem>>, vector<16xi32>,
    %get3A_1057 = vector.shape_cast %get3A_1056 : vector<16xi32> to vector<16xi32>
    %broadcast_in_dim3A_1058 = arith.constant 0 : i32
    %broadcast_in_dim3A_1059 = vector.broadcast %broadcast_in_dim3A_1058 : i32 to vector<16xi32>
    %ge3A_1060 = arith.constant 500 : i32
    %ge3A_1061 = vector.broadcast %ge3A_1060 : i32 to vector<16xi32>
    %ge3A_1062 = arith.cmpi sge, %add3A_1046, %ge3A_1061 : vector<16xi32>
    %jit3A_1063 = arith.constant 1 : i32
    %jit3A_1064 = arith.constant 0 : i32
    %broadcast_in_dim3A_1065 = vector.broadcast %jit3A_1063 : i32 to vector<16xi32>
    %broadcast_in_dim3A_1066 = vector.broadcast %jit3A_1064 : i32 to vector<16xi32>
    %select_n3A_1067 = arith.select %ge3A_1062, %broadcast_in_dim3A_1065, %broadcast_in_dim3A_1066 : vector<16xi1>, vector<16xi32>
    %add3A_1068 = arith.addi %broadcast_in_dim3A_1059, %select_n3A_1067 : vector<16xi32>
    %ge3A_1069 = arith.constant 1000 : i32
    %ge3A_1070 = vector.broadcast %ge3A_1069 : i32 to vector<16xi32>
    %ge3A_1071 = arith.cmpi sge, %add3A_1046, %ge3A_1070 : vector<16xi32>
    %jit3A_1072 = arith.constant 1 : i32
    %jit3A_1073 = arith.constant 0 : i32
    %broadcast_in_dim3A_1074 = vector.broadcast %jit3A_1072 : i32 to vector<16xi32>
    %broadcast_in_dim3A_1075 = vector.broadcast %jit3A_1073 : i32 to vector<16xi32>
    %select_n3A_1076 = arith.select %ge3A_1071, %broadcast_in_dim3A_1074, %broadcast_in_dim3A_1075 : vector<16xi1>, vector<16xi32>
    %add3A_1077 = arith.addi %add3A_1068, %select_n3A_1076 : vector<16xi32>
    %ge3A_1078 = arith.constant 1500 : i32
    %ge3A_1079 = vector.broadcast %ge3A_1078 : i32 to vector<16xi32>
    %ge3A_1080 = arith.cmpi sge, %add3A_1046, %ge3A_1079 : vector<16xi32>
    %jit3A_1081 = arith.constant 1 : i32
    %jit3A_1082 = arith.constant 0 : i32
    %broadcast_in_dim3A_1083 = vector.broadcast %jit3A_1081 : i32 to vector<16xi32>
    %broadcast_in_dim3A_1084 = vector.broadcast %jit3A_1082 : i32 to vector<16xi32>
    %select_n3A_1085 = arith.select %ge3A_1080, %broadcast_in_dim3A_1083, %broadcast_in_dim3A_1084 : vector<16xi1>, vector<16xi32>
    %add3A_1086 = arith.addi %add3A_1077, %select_n3A_1085 : vector<16xi32>
    %ge3A_1087 = arith.constant 2000 : i32
    %ge3A_1088 = vector.broadcast %ge3A_1087 : i32 to vector<16xi32>
    %ge3A_1089 = arith.cmpi sge, %add3A_1046, %ge3A_1088 : vector<16xi32>
    %jit3A_1090 = arith.constant 1 : i32
    %jit3A_1091 = arith.constant 0 : i32
    %broadcast_in_dim3A_1092 = vector.broadcast %jit3A_1090 : i32 to vector<16xi32>
    %broadcast_in_dim3A_1093 = vector.broadcast %jit3A_1091 : i32 to vector<16xi32>
    %select_n3A_1094 = arith.select %ge3A_1089, %broadcast_in_dim3A_1092, %broadcast_in_dim3A_1093 : vector<16xi1>, vector<16xi32>
    %add3A_1095 = arith.addi %add3A_1086, %select_n3A_1094 : vector<16xi32>
    %ge3A_1096 = arith.constant 2500 : i32
    %ge3A_1097 = vector.broadcast %ge3A_1096 : i32 to vector<16xi32>
    %ge3A_1098 = arith.cmpi sge, %add3A_1046, %ge3A_1097 : vector<16xi32>
    %jit3A_1099 = arith.constant 1 : i32
    %jit3A_1100 = arith.constant 0 : i32
    %broadcast_in_dim3A_1101 = vector.broadcast %jit3A_1099 : i32 to vector<16xi32>
    %broadcast_in_dim3A_1102 = vector.broadcast %jit3A_1100 : i32 to vector<16xi32>
    %select_n3A_1103 = arith.select %ge3A_1098, %broadcast_in_dim3A_1101, %broadcast_in_dim3A_1102 : vector<16xi1>, vector<16xi32>
    %add3A_1104 = arith.addi %add3A_1095, %select_n3A_1103 : vector<16xi32>
    %ge3A_1105 = arith.constant 3000 : i32
    %ge3A_1106 = vector.broadcast %ge3A_1105 : i32 to vector<16xi32>
    %ge3A_1107 = arith.cmpi sge, %add3A_1046, %ge3A_1106 : vector<16xi32>
    %jit3A_1108 = arith.constant 1 : i32
    %jit3A_1109 = arith.constant 0 : i32
    %broadcast_in_dim3A_1110 = vector.broadcast %jit3A_1108 : i32 to vector<16xi32>
    %broadcast_in_dim3A_1111 = vector.broadcast %jit3A_1109 : i32 to vector<16xi32>
    %select_n3A_1112 = arith.select %ge3A_1107, %broadcast_in_dim3A_1110, %broadcast_in_dim3A_1111 : vector<16xi1>, vector<16xi32>
    %add3A_1113 = arith.addi %add3A_1104, %select_n3A_1112 : vector<16xi32>
    %ge3A_1114 = arith.constant 3500 : i32
    %ge3A_1115 = vector.broadcast %ge3A_1114 : i32 to vector<16xi32>
    %ge3A_1116 = arith.cmpi sge, %add3A_1046, %ge3A_1115 : vector<16xi32>
    %jit3A_1117 = arith.constant 1 : i32
    %jit3A_1118 = arith.constant 0 : i32
    %broadcast_in_dim3A_1119 = vector.broadcast %jit3A_1117 : i32 to vector<16xi32>
    %broadcast_in_dim3A_1120 = vector.broadcast %jit3A_1118 : i32 to vector<16xi32>
    %select_n3A_1121 = arith.select %ge3A_1116, %broadcast_in_dim3A_1119, %broadcast_in_dim3A_1120 : vector<16xi1>, vector<16xi32>
    %add3A_1122 = arith.addi %add3A_1113, %select_n3A_1121 : vector<16xi32>
    %mul3A_1123 = arith.constant 1310720 : i32
    %mul3A_1124 = vector.broadcast %mul3A_1123 : i32 to vector<16xi32>
    %mul3A_1125 = arith.muli %add3A_1122, %mul3A_1124 : vector<16xi32>
    %mul3A_1126 = arith.constant 16384 : i32
    %mul3A_1127 = vector.broadcast %mul3A_1126 : i32 to vector<16xi32>
    %mul3A_1128 = arith.muli %get3A_1054, %mul3A_1127 : vector<16xi32>
    %add3A_1129 = arith.addi %mul3A_1125, %mul3A_1128 : vector<16xi32>
    %add3A_1130 = arith.addi %add3A_1129, %get3A_1051 : vector<16xi32>
    %jit3A_1131 = arith.constant 0 : i32
    %broadcast_in_dim3A_1132 = vector.broadcast %jit3A_1131 : i32 to vector<16xi32>
    %select_n3A_1133 = arith.select %ge3A_1048, %add3A_1130, %broadcast_in_dim3A_1132 : vector<16xi1>, vector<16xi32>
    %swap3A_1134 = arith.constant 160 : index
    %swap3A_1135 = tpu.vector_load %arg9[%swap3A_1134] {strides = array<i32>} : memref<256xi32, #tpu.memory_space<vmem>>, vector<16xi32>,
    %swap3A_1136 = vector.shape_cast %swap3A_1135 : vector<16xi32> to vector<16xi32>
    %swap3A_1137 = vector.shape_cast %select_n3A_1133 : vector<16xi32> to vector<16xi32>
    tpu.vector_store %arg9[%swap3A_1134], %swap3A_1137 {strides = array<i32>} : memref<256xi32, #tpu.memory_space<vmem>>, vector<16xi32>,
    %jit3A_1138 = arith.constant 0 : i32
    %broadcast_in_dim3A_1139 = vector.broadcast %jit3A_1138 : i32 to vector<16xi32>
    %select_n3A_1140 = arith.select %ge3A_1048, %get3A_1057, %broadcast_in_dim3A_1139 : vector<16xi1>, vector<16xi32>
    %swap3A_1141 = arith.constant 160 : index
    %swap3A_1142 = tpu.vector_load %arg10[%swap3A_1141] {strides = array<i32>} : memref<256xi32, #tpu.memory_space<vmem>>, vector<16xi32>,
    %swap3A_1143 = vector.shape_cast %swap3A_1142 : vector<16xi32> to vector<16xi32>
    %swap3A_1144 = vector.shape_cast %select_n3A_1140 : vector<16xi32> to vector<16xi32>
    tpu.vector_store %arg10[%swap3A_1141], %swap3A_1144 {strides = array<i32>} : memref<256xi32, #tpu.memory_space<vmem>>, vector<16xi32>,
    %iota3A_1145 = tpu.iota {dimensions = array<i32: 0>} : vector<16xi32>
    %add3A_1146 = arith.constant 176 : i32
    %add3A_1147 = vector.broadcast %add3A_1146 : i32 to vector<16xi32>
    %add3A_1148 = arith.addi %add3A_1147, %iota3A_1145 : vector<16xi32>
    %add3A_1149 = vector.broadcast %multiple_of3A : i32 to vector<16xi32>
    %add3A_1150 = arith.addi %add3A_1149, %add3A_1148 : vector<16xi32>
    %ge3A_1151 = vector.broadcast %mul3A_2 : i32 to vector<16xi32>
    %ge3A_1152 = arith.cmpi sge, %add3A_1150, %ge3A_1151 : vector<16xi32>
    %get3A_1153 = arith.constant 176 : index
    %get3A_1154 = tpu.vector_load %arg6[%get3A_1153] {strides = array<i32>} : memref<256xi32, #tpu.memory_space<vmem>>, vector<16xi32>,
    %get3A_1155 = vector.shape_cast %get3A_1154 : vector<16xi32> to vector<16xi32>
    %get3A_1156 = arith.constant 176 : index
    %get3A_1157 = tpu.vector_load %arg7[%get3A_1156] {strides = array<i32>} : memref<256xi32, #tpu.memory_space<vmem>>, vector<16xi32>,
    %get3A_1158 = vector.shape_cast %get3A_1157 : vector<16xi32> to vector<16xi32>
    %get3A_1159 = arith.constant 176 : index
    %get3A_1160 = tpu.vector_load %arg8[%get3A_1159] {strides = array<i32>} : memref<256xi32, #tpu.memory_space<vmem>>, vector<16xi32>,
    %get3A_1161 = vector.shape_cast %get3A_1160 : vector<16xi32> to vector<16xi32>
    %broadcast_in_dim3A_1162 = arith.constant 0 : i32
    %broadcast_in_dim3A_1163 = vector.broadcast %broadcast_in_dim3A_1162 : i32 to vector<16xi32>
    %ge3A_1164 = arith.constant 500 : i32
    %ge3A_1165 = vector.broadcast %ge3A_1164 : i32 to vector<16xi32>
    %ge3A_1166 = arith.cmpi sge, %add3A_1150, %ge3A_1165 : vector<16xi32>
    %jit3A_1167 = arith.constant 1 : i32
    %jit3A_1168 = arith.constant 0 : i32
    %broadcast_in_dim3A_1169 = vector.broadcast %jit3A_1167 : i32 to vector<16xi32>
    %broadcast_in_dim3A_1170 = vector.broadcast %jit3A_1168 : i32 to vector<16xi32>
    %select_n3A_1171 = arith.select %ge3A_1166, %broadcast_in_dim3A_1169, %broadcast_in_dim3A_1170 : vector<16xi1>, vector<16xi32>
    %add3A_1172 = arith.addi %broadcast_in_dim3A_1163, %select_n3A_1171 : vector<16xi32>
    %ge3A_1173 = arith.constant 1000 : i32
    %ge3A_1174 = vector.broadcast %ge3A_1173 : i32 to vector<16xi32>
    %ge3A_1175 = arith.cmpi sge, %add3A_1150, %ge3A_1174 : vector<16xi32>
    %jit3A_1176 = arith.constant 1 : i32
    %jit3A_1177 = arith.constant 0 : i32
    %broadcast_in_dim3A_1178 = vector.broadcast %jit3A_1176 : i32 to vector<16xi32>
    %broadcast_in_dim3A_1179 = vector.broadcast %jit3A_1177 : i32 to vector<16xi32>
    %select_n3A_1180 = arith.select %ge3A_1175, %broadcast_in_dim3A_1178, %broadcast_in_dim3A_1179 : vector<16xi1>, vector<16xi32>
    %add3A_1181 = arith.addi %add3A_1172, %select_n3A_1180 : vector<16xi32>
    %ge3A_1182 = arith.constant 1500 : i32
    %ge3A_1183 = vector.broadcast %ge3A_1182 : i32 to vector<16xi32>
    %ge3A_1184 = arith.cmpi sge, %add3A_1150, %ge3A_1183 : vector<16xi32>
    %jit3A_1185 = arith.constant 1 : i32
    %jit3A_1186 = arith.constant 0 : i32
    %broadcast_in_dim3A_1187 = vector.broadcast %jit3A_1185 : i32 to vector<16xi32>
    %broadcast_in_dim3A_1188 = vector.broadcast %jit3A_1186 : i32 to vector<16xi32>
    %select_n3A_1189 = arith.select %ge3A_1184, %broadcast_in_dim3A_1187, %broadcast_in_dim3A_1188 : vector<16xi1>, vector<16xi32>
    %add3A_1190 = arith.addi %add3A_1181, %select_n3A_1189 : vector<16xi32>
    %ge3A_1191 = arith.constant 2000 : i32
    %ge3A_1192 = vector.broadcast %ge3A_1191 : i32 to vector<16xi32>
    %ge3A_1193 = arith.cmpi sge, %add3A_1150, %ge3A_1192 : vector<16xi32>
    %jit3A_1194 = arith.constant 1 : i32
    %jit3A_1195 = arith.constant 0 : i32
    %broadcast_in_dim3A_1196 = vector.broadcast %jit3A_1194 : i32 to vector<16xi32>
    %broadcast_in_dim3A_1197 = vector.broadcast %jit3A_1195 : i32 to vector<16xi32>
    %select_n3A_1198 = arith.select %ge3A_1193, %broadcast_in_dim3A_1196, %broadcast_in_dim3A_1197 : vector<16xi1>, vector<16xi32>
    %add3A_1199 = arith.addi %add3A_1190, %select_n3A_1198 : vector<16xi32>
    %ge3A_1200 = arith.constant 2500 : i32
    %ge3A_1201 = vector.broadcast %ge3A_1200 : i32 to vector<16xi32>
    %ge3A_1202 = arith.cmpi sge, %add3A_1150, %ge3A_1201 : vector<16xi32>
    %jit3A_1203 = arith.constant 1 : i32
    %jit3A_1204 = arith.constant 0 : i32
    %broadcast_in_dim3A_1205 = vector.broadcast %jit3A_1203 : i32 to vector<16xi32>
    %broadcast_in_dim3A_1206 = vector.broadcast %jit3A_1204 : i32 to vector<16xi32>
    %select_n3A_1207 = arith.select %ge3A_1202, %broadcast_in_dim3A_1205, %broadcast_in_dim3A_1206 : vector<16xi1>, vector<16xi32>
    %add3A_1208 = arith.addi %add3A_1199, %select_n3A_1207 : vector<16xi32>
    %ge3A_1209 = arith.constant 3000 : i32
    %ge3A_1210 = vector.broadcast %ge3A_1209 : i32 to vector<16xi32>
    %ge3A_1211 = arith.cmpi sge, %add3A_1150, %ge3A_1210 : vector<16xi32>
    %jit3A_1212 = arith.constant 1 : i32
    %jit3A_1213 = arith.constant 0 : i32
    %broadcast_in_dim3A_1214 = vector.broadcast %jit3A_1212 : i32 to vector<16xi32>
    %broadcast_in_dim3A_1215 = vector.broadcast %jit3A_1213 : i32 to vector<16xi32>
    %select_n3A_1216 = arith.select %ge3A_1211, %broadcast_in_dim3A_1214, %broadcast_in_dim3A_1215 : vector<16xi1>, vector<16xi32>
    %add3A_1217 = arith.addi %add3A_1208, %select_n3A_1216 : vector<16xi32>
    %ge3A_1218 = arith.constant 3500 : i32
    %ge3A_1219 = vector.broadcast %ge3A_1218 : i32 to vector<16xi32>
    %ge3A_1220 = arith.cmpi sge, %add3A_1150, %ge3A_1219 : vector<16xi32>
    %jit3A_1221 = arith.constant 1 : i32
    %jit3A_1222 = arith.constant 0 : i32
    %broadcast_in_dim3A_1223 = vector.broadcast %jit3A_1221 : i32 to vector<16xi32>
    %broadcast_in_dim3A_1224 = vector.broadcast %jit3A_1222 : i32 to vector<16xi32>
    %select_n3A_1225 = arith.select %ge3A_1220, %broadcast_in_dim3A_1223, %broadcast_in_dim3A_1224 : vector<16xi1>, vector<16xi32>
    %add3A_1226 = arith.addi %add3A_1217, %select_n3A_1225 : vector<16xi32>
    %mul3A_1227 = arith.constant 1310720 : i32
    %mul3A_1228 = vector.broadcast %mul3A_1227 : i32 to vector<16xi32>
    %mul3A_1229 = arith.muli %add3A_1226, %mul3A_1228 : vector<16xi32>
    %mul3A_1230 = arith.constant 16384 : i32
    %mul3A_1231 = vector.broadcast %mul3A_1230 : i32 to vector<16xi32>
    %mul3A_1232 = arith.muli %get3A_1158, %mul3A_1231 : vector<16xi32>
    %add3A_1233 = arith.addi %mul3A_1229, %mul3A_1232 : vector<16xi32>
    %add3A_1234 = arith.addi %add3A_1233, %get3A_1155 : vector<16xi32>
    %jit3A_1235 = arith.constant 0 : i32
    %broadcast_in_dim3A_1236 = vector.broadcast %jit3A_1235 : i32 to vector<16xi32>
    %select_n3A_1237 = arith.select %ge3A_1152, %add3A_1234, %broadcast_in_dim3A_1236 : vector<16xi1>, vector<16xi32>
    %swap3A_1238 = arith.constant 176 : index
    %swap3A_1239 = tpu.vector_load %arg9[%swap3A_1238] {strides = array<i32>} : memref<256xi32, #tpu.memory_space<vmem>>, vector<16xi32>,
    %swap3A_1240 = vector.shape_cast %swap3A_1239 : vector<16xi32> to vector<16xi32>
    %swap3A_1241 = vector.shape_cast %select_n3A_1237 : vector<16xi32> to vector<16xi32>
    tpu.vector_store %arg9[%swap3A_1238], %swap3A_1241 {strides = array<i32>} : memref<256xi32, #tpu.memory_space<vmem>>, vector<16xi32>,
    %jit3A_1242 = arith.constant 0 : i32
    %broadcast_in_dim3A_1243 = vector.broadcast %jit3A_1242 : i32 to vector<16xi32>
    %select_n3A_1244 = arith.select %ge3A_1152, %get3A_1161, %broadcast_in_dim3A_1243 : vector<16xi1>, vector<16xi32>
    %swap3A_1245 = arith.constant 176 : index
    %swap3A_1246 = tpu.vector_load %arg10[%swap3A_1245] {strides = array<i32>} : memref<256xi32, #tpu.memory_space<vmem>>, vector<16xi32>,
    %swap3A_1247 = vector.shape_cast %swap3A_1246 : vector<16xi32> to vector<16xi32>
    %swap3A_1248 = vector.shape_cast %select_n3A_1244 : vector<16xi32> to vector<16xi32>
    tpu.vector_store %arg10[%swap3A_1245], %swap3A_1248 {strides = array<i32>} : memref<256xi32, #tpu.memory_space<vmem>>, vector<16xi32>,
    %iota3A_1249 = tpu.iota {dimensions = array<i32: 0>} : vector<16xi32>
    %add3A_1250 = arith.constant 192 : i32
    %add3A_1251 = vector.broadcast %add3A_1250 : i32 to vector<16xi32>
    %add3A_1252 = arith.addi %add3A_1251, %iota3A_1249 : vector<16xi32>
    %add3A_1253 = vector.broadcast %multiple_of3A : i32 to vector<16xi32>
    %add3A_1254 = arith.addi %add3A_1253, %add3A_1252 : vector<16xi32>
    %ge3A_1255 = vector.broadcast %mul3A_2 : i32 to vector<16xi32>
    %ge3A_1256 = arith.cmpi sge, %add3A_1254, %ge3A_1255 : vector<16xi32>
    %get3A_1257 = arith.constant 192 : index
    %get3A_1258 = tpu.vector_load %arg6[%get3A_1257] {strides = array<i32>} : memref<256xi32, #tpu.memory_space<vmem>>, vector<16xi32>,
    %get3A_1259 = vector.shape_cast %get3A_1258 : vector<16xi32> to vector<16xi32>
    %get3A_1260 = arith.constant 192 : index
    %get3A_1261 = tpu.vector_load %arg7[%get3A_1260] {strides = array<i32>} : memref<256xi32, #tpu.memory_space<vmem>>, vector<16xi32>,
    %get3A_1262 = vector.shape_cast %get3A_1261 : vector<16xi32> to vector<16xi32>
    %get3A_1263 = arith.constant 192 : index
    %get3A_1264 = tpu.vector_load %arg8[%get3A_1263] {strides = array<i32>} : memref<256xi32, #tpu.memory_space<vmem>>, vector<16xi32>,
    %get3A_1265 = vector.shape_cast %get3A_1264 : vector<16xi32> to vector<16xi32>
    %broadcast_in_dim3A_1266 = arith.constant 0 : i32
    %broadcast_in_dim3A_1267 = vector.broadcast %broadcast_in_dim3A_1266 : i32 to vector<16xi32>
    %ge3A_1268 = arith.constant 500 : i32
    %ge3A_1269 = vector.broadcast %ge3A_1268 : i32 to vector<16xi32>
    %ge3A_1270 = arith.cmpi sge, %add3A_1254, %ge3A_1269 : vector<16xi32>
    %jit3A_1271 = arith.constant 1 : i32
    %jit3A_1272 = arith.constant 0 : i32
    %broadcast_in_dim3A_1273 = vector.broadcast %jit3A_1271 : i32 to vector<16xi32>
    %broadcast_in_dim3A_1274 = vector.broadcast %jit3A_1272 : i32 to vector<16xi32>
    %select_n3A_1275 = arith.select %ge3A_1270, %broadcast_in_dim3A_1273, %broadcast_in_dim3A_1274 : vector<16xi1>, vector<16xi32>
    %add3A_1276 = arith.addi %broadcast_in_dim3A_1267, %select_n3A_1275 : vector<16xi32>
    %ge3A_1277 = arith.constant 1000 : i32
    %ge3A_1278 = vector.broadcast %ge3A_1277 : i32 to vector<16xi32>
    %ge3A_1279 = arith.cmpi sge, %add3A_1254, %ge3A_1278 : vector<16xi32>
    %jit3A_1280 = arith.constant 1 : i32
    %jit3A_1281 = arith.constant 0 : i32
    %broadcast_in_dim3A_1282 = vector.broadcast %jit3A_1280 : i32 to vector<16xi32>
    %broadcast_in_dim3A_1283 = vector.broadcast %jit3A_1281 : i32 to vector<16xi32>
    %select_n3A_1284 = arith.select %ge3A_1279, %broadcast_in_dim3A_1282, %broadcast_in_dim3A_1283 : vector<16xi1>, vector<16xi32>
    %add3A_1285 = arith.addi %add3A_1276, %select_n3A_1284 : vector<16xi32>
    %ge3A_1286 = arith.constant 1500 : i32
    %ge3A_1287 = vector.broadcast %ge3A_1286 : i32 to vector<16xi32>
    %ge3A_1288 = arith.cmpi sge, %add3A_1254, %ge3A_1287 : vector<16xi32>
    %jit3A_1289 = arith.constant 1 : i32
    %jit3A_1290 = arith.constant 0 : i32
    %broadcast_in_dim3A_1291 = vector.broadcast %jit3A_1289 : i32 to vector<16xi32>
    %broadcast_in_dim3A_1292 = vector.broadcast %jit3A_1290 : i32 to vector<16xi32>
    %select_n3A_1293 = arith.select %ge3A_1288, %broadcast_in_dim3A_1291, %broadcast_in_dim3A_1292 : vector<16xi1>, vector<16xi32>
    %add3A_1294 = arith.addi %add3A_1285, %select_n3A_1293 : vector<16xi32>
    %ge3A_1295 = arith.constant 2000 : i32
    %ge3A_1296 = vector.broadcast %ge3A_1295 : i32 to vector<16xi32>
    %ge3A_1297 = arith.cmpi sge, %add3A_1254, %ge3A_1296 : vector<16xi32>
    %jit3A_1298 = arith.constant 1 : i32
    %jit3A_1299 = arith.constant 0 : i32
    %broadcast_in_dim3A_1300 = vector.broadcast %jit3A_1298 : i32 to vector<16xi32>
    %broadcast_in_dim3A_1301 = vector.broadcast %jit3A_1299 : i32 to vector<16xi32>
    %select_n3A_1302 = arith.select %ge3A_1297, %broadcast_in_dim3A_1300, %broadcast_in_dim3A_1301 : vector<16xi1>, vector<16xi32>
    %add3A_1303 = arith.addi %add3A_1294, %select_n3A_1302 : vector<16xi32>
    %ge3A_1304 = arith.constant 2500 : i32
    %ge3A_1305 = vector.broadcast %ge3A_1304 : i32 to vector<16xi32>
    %ge3A_1306 = arith.cmpi sge, %add3A_1254, %ge3A_1305 : vector<16xi32>
    %jit3A_1307 = arith.constant 1 : i32
    %jit3A_1308 = arith.constant 0 : i32
    %broadcast_in_dim3A_1309 = vector.broadcast %jit3A_1307 : i32 to vector<16xi32>
    %broadcast_in_dim3A_1310 = vector.broadcast %jit3A_1308 : i32 to vector<16xi32>
    %select_n3A_1311 = arith.select %ge3A_1306, %broadcast_in_dim3A_1309, %broadcast_in_dim3A_1310 : vector<16xi1>, vector<16xi32>
    %add3A_1312 = arith.addi %add3A_1303, %select_n3A_1311 : vector<16xi32>
    %ge3A_1313 = arith.constant 3000 : i32
    %ge3A_1314 = vector.broadcast %ge3A_1313 : i32 to vector<16xi32>
    %ge3A_1315 = arith.cmpi sge, %add3A_1254, %ge3A_1314 : vector<16xi32>
    %jit3A_1316 = arith.constant 1 : i32
    %jit3A_1317 = arith.constant 0 : i32
    %broadcast_in_dim3A_1318 = vector.broadcast %jit3A_1316 : i32 to vector<16xi32>
    %broadcast_in_dim3A_1319 = vector.broadcast %jit3A_1317 : i32 to vector<16xi32>
    %select_n3A_1320 = arith.select %ge3A_1315, %broadcast_in_dim3A_1318, %broadcast_in_dim3A_1319 : vector<16xi1>, vector<16xi32>
    %add3A_1321 = arith.addi %add3A_1312, %select_n3A_1320 : vector<16xi32>
    %ge3A_1322 = arith.constant 3500 : i32
    %ge3A_1323 = vector.broadcast %ge3A_1322 : i32 to vector<16xi32>
    %ge3A_1324 = arith.cmpi sge, %add3A_1254, %ge3A_1323 : vector<16xi32>
    %jit3A_1325 = arith.constant 1 : i32
    %jit3A_1326 = arith.constant 0 : i32
    %broadcast_in_dim3A_1327 = vector.broadcast %jit3A_1325 : i32 to vector<16xi32>
    %broadcast_in_dim3A_1328 = vector.broadcast %jit3A_1326 : i32 to vector<16xi32>
    %select_n3A_1329 = arith.select %ge3A_1324, %broadcast_in_dim3A_1327, %broadcast_in_dim3A_1328 : vector<16xi1>, vector<16xi32>
    %add3A_1330 = arith.addi %add3A_1321, %select_n3A_1329 : vector<16xi32>
    %mul3A_1331 = arith.constant 1310720 : i32
    %mul3A_1332 = vector.broadcast %mul3A_1331 : i32 to vector<16xi32>
    %mul3A_1333 = arith.muli %add3A_1330, %mul3A_1332 : vector<16xi32>
    %mul3A_1334 = arith.constant 16384 : i32
    %mul3A_1335 = vector.broadcast %mul3A_1334 : i32 to vector<16xi32>
    %mul3A_1336 = arith.muli %get3A_1262, %mul3A_1335 : vector<16xi32>
    %add3A_1337 = arith.addi %mul3A_1333, %mul3A_1336 : vector<16xi32>
    %add3A_1338 = arith.addi %add3A_1337, %get3A_1259 : vector<16xi32>
    %jit3A_1339 = arith.constant 0 : i32
    %broadcast_in_dim3A_1340 = vector.broadcast %jit3A_1339 : i32 to vector<16xi32>
    %select_n3A_1341 = arith.select %ge3A_1256, %add3A_1338, %broadcast_in_dim3A_1340 : vector<16xi1>, vector<16xi32>
    %swap3A_1342 = arith.constant 192 : index
    %swap3A_1343 = tpu.vector_load %arg9[%swap3A_1342] {strides = array<i32>} : memref<256xi32, #tpu.memory_space<vmem>>, vector<16xi32>,
    %swap3A_1344 = vector.shape_cast %swap3A_1343 : vector<16xi32> to vector<16xi32>
    %swap3A_1345 = vector.shape_cast %select_n3A_1341 : vector<16xi32> to vector<16xi32>
    tpu.vector_store %arg9[%swap3A_1342], %swap3A_1345 {strides = array<i32>} : memref<256xi32, #tpu.memory_space<vmem>>, vector<16xi32>,
    %jit3A_1346 = arith.constant 0 : i32
    %broadcast_in_dim3A_1347 = vector.broadcast %jit3A_1346 : i32 to vector<16xi32>
    %select_n3A_1348 = arith.select %ge3A_1256, %get3A_1265, %broadcast_in_dim3A_1347 : vector<16xi1>, vector<16xi32>
    %swap3A_1349 = arith.constant 192 : index
    %swap3A_1350 = tpu.vector_load %arg10[%swap3A_1349] {strides = array<i32>} : memref<256xi32, #tpu.memory_space<vmem>>, vector<16xi32>,
    %swap3A_1351 = vector.shape_cast %swap3A_1350 : vector<16xi32> to vector<16xi32>
    %swap3A_1352 = vector.shape_cast %select_n3A_1348 : vector<16xi32> to vector<16xi32>
    tpu.vector_store %arg10[%swap3A_1349], %swap3A_1352 {strides = array<i32>} : memref<256xi32, #tpu.memory_space<vmem>>, vector<16xi32>,
    %iota3A_1353 = tpu.iota {dimensions = array<i32: 0>} : vector<16xi32>
    %add3A_1354 = arith.constant 208 : i32
    %add3A_1355 = vector.broadcast %add3A_1354 : i32 to vector<16xi32>
    %add3A_1356 = arith.addi %add3A_1355, %iota3A_1353 : vector<16xi32>
    %add3A_1357 = vector.broadcast %multiple_of3A : i32 to vector<16xi32>
    %add3A_1358 = arith.addi %add3A_1357, %add3A_1356 : vector<16xi32>
    %ge3A_1359 = vector.broadcast %mul3A_2 : i32 to vector<16xi32>
    %ge3A_1360 = arith.cmpi sge, %add3A_1358, %ge3A_1359 : vector<16xi32>
    %get3A_1361 = arith.constant 208 : index
    %get3A_1362 = tpu.vector_load %arg6[%get3A_1361] {strides = array<i32>} : memref<256xi32, #tpu.memory_space<vmem>>, vector<16xi32>,
    %get3A_1363 = vector.shape_cast %get3A_1362 : vector<16xi32> to vector<16xi32>
    %get3A_1364 = arith.constant 208 : index
    %get3A_1365 = tpu.vector_load %arg7[%get3A_1364] {strides = array<i32>} : memref<256xi32, #tpu.memory_space<vmem>>, vector<16xi32>,
    %get3A_1366 = vector.shape_cast %get3A_1365 : vector<16xi32> to vector<16xi32>
    %get3A_1367 = arith.constant 208 : index
    %get3A_1368 = tpu.vector_load %arg8[%get3A_1367] {strides = array<i32>} : memref<256xi32, #tpu.memory_space<vmem>>, vector<16xi32>,
    %get3A_1369 = vector.shape_cast %get3A_1368 : vector<16xi32> to vector<16xi32>
    %broadcast_in_dim3A_1370 = arith.constant 0 : i32
    %broadcast_in_dim3A_1371 = vector.broadcast %broadcast_in_dim3A_1370 : i32 to vector<16xi32>
    %ge3A_1372 = arith.constant 500 : i32
    %ge3A_1373 = vector.broadcast %ge3A_1372 : i32 to vector<16xi32>
    %ge3A_1374 = arith.cmpi sge, %add3A_1358, %ge3A_1373 : vector<16xi32>
    %jit3A_1375 = arith.constant 1 : i32
    %jit3A_1376 = arith.constant 0 : i32
    %broadcast_in_dim3A_1377 = vector.broadcast %jit3A_1375 : i32 to vector<16xi32>
    %broadcast_in_dim3A_1378 = vector.broadcast %jit3A_1376 : i32 to vector<16xi32>
    %select_n3A_1379 = arith.select %ge3A_1374, %broadcast_in_dim3A_1377, %broadcast_in_dim3A_1378 : vector<16xi1>, vector<16xi32>
    %add3A_1380 = arith.addi %broadcast_in_dim3A_1371, %select_n3A_1379 : vector<16xi32>
    %ge3A_1381 = arith.constant 1000 : i32
    %ge3A_1382 = vector.broadcast %ge3A_1381 : i32 to vector<16xi32>
    %ge3A_1383 = arith.cmpi sge, %add3A_1358, %ge3A_1382 : vector<16xi32>
    %jit3A_1384 = arith.constant 1 : i32
    %jit3A_1385 = arith.constant 0 : i32
    %broadcast_in_dim3A_1386 = vector.broadcast %jit3A_1384 : i32 to vector<16xi32>
    %broadcast_in_dim3A_1387 = vector.broadcast %jit3A_1385 : i32 to vector<16xi32>
    %select_n3A_1388 = arith.select %ge3A_1383, %broadcast_in_dim3A_1386, %broadcast_in_dim3A_1387 : vector<16xi1>, vector<16xi32>
    %add3A_1389 = arith.addi %add3A_1380, %select_n3A_1388 : vector<16xi32>
    %ge3A_1390 = arith.constant 1500 : i32
    %ge3A_1391 = vector.broadcast %ge3A_1390 : i32 to vector<16xi32>
    %ge3A_1392 = arith.cmpi sge, %add3A_1358, %ge3A_1391 : vector<16xi32>
    %jit3A_1393 = arith.constant 1 : i32
    %jit3A_1394 = arith.constant 0 : i32
    %broadcast_in_dim3A_1395 = vector.broadcast %jit3A_1393 : i32 to vector<16xi32>
    %broadcast_in_dim3A_1396 = vector.broadcast %jit3A_1394 : i32 to vector<16xi32>
    %select_n3A_1397 = arith.select %ge3A_1392, %broadcast_in_dim3A_1395, %broadcast_in_dim3A_1396 : vector<16xi1>, vector<16xi32>
    %add3A_1398 = arith.addi %add3A_1389, %select_n3A_1397 : vector<16xi32>
    %ge3A_1399 = arith.constant 2000 : i32
    %ge3A_1400 = vector.broadcast %ge3A_1399 : i32 to vector<16xi32>
    %ge3A_1401 = arith.cmpi sge, %add3A_1358, %ge3A_1400 : vector<16xi32>
    %jit3A_1402 = arith.constant 1 : i32
    %jit3A_1403 = arith.constant 0 : i32
    %broadcast_in_dim3A_1404 = vector.broadcast %jit3A_1402 : i32 to vector<16xi32>
    %broadcast_in_dim3A_1405 = vector.broadcast %jit3A_1403 : i32 to vector<16xi32>
    %select_n3A_1406 = arith.select %ge3A_1401, %broadcast_in_dim3A_1404, %broadcast_in_dim3A_1405 : vector<16xi1>, vector<16xi32>
    %add3A_1407 = arith.addi %add3A_1398, %select_n3A_1406 : vector<16xi32>
    %ge3A_1408 = arith.constant 2500 : i32
    %ge3A_1409 = vector.broadcast %ge3A_1408 : i32 to vector<16xi32>
    %ge3A_1410 = arith.cmpi sge, %add3A_1358, %ge3A_1409 : vector<16xi32>
    %jit3A_1411 = arith.constant 1 : i32
    %jit3A_1412 = arith.constant 0 : i32
    %broadcast_in_dim3A_1413 = vector.broadcast %jit3A_1411 : i32 to vector<16xi32>
    %broadcast_in_dim3A_1414 = vector.broadcast %jit3A_1412 : i32 to vector<16xi32>
    %select_n3A_1415 = arith.select %ge3A_1410, %broadcast_in_dim3A_1413, %broadcast_in_dim3A_1414 : vector<16xi1>, vector<16xi32>
    %add3A_1416 = arith.addi %add3A_1407, %select_n3A_1415 : vector<16xi32>
    %ge3A_1417 = arith.constant 3000 : i32
    %ge3A_1418 = vector.broadcast %ge3A_1417 : i32 to vector<16xi32>
    %ge3A_1419 = arith.cmpi sge, %add3A_1358, %ge3A_1418 : vector<16xi32>
    %jit3A_1420 = arith.constant 1 : i32
    %jit3A_1421 = arith.constant 0 : i32
    %broadcast_in_dim3A_1422 = vector.broadcast %jit3A_1420 : i32 to vector<16xi32>
    %broadcast_in_dim3A_1423 = vector.broadcast %jit3A_1421 : i32 to vector<16xi32>
    %select_n3A_1424 = arith.select %ge3A_1419, %broadcast_in_dim3A_1422, %broadcast_in_dim3A_1423 : vector<16xi1>, vector<16xi32>
    %add3A_1425 = arith.addi %add3A_1416, %select_n3A_1424 : vector<16xi32>
    %ge3A_1426 = arith.constant 3500 : i32
    %ge3A_1427 = vector.broadcast %ge3A_1426 : i32 to vector<16xi32>
    %ge3A_1428 = arith.cmpi sge, %add3A_1358, %ge3A_1427 : vector<16xi32>
    %jit3A_1429 = arith.constant 1 : i32
    %jit3A_1430 = arith.constant 0 : i32
    %broadcast_in_dim3A_1431 = vector.broadcast %jit3A_1429 : i32 to vector<16xi32>
    %broadcast_in_dim3A_1432 = vector.broadcast %jit3A_1430 : i32 to vector<16xi32>
    %select_n3A_1433 = arith.select %ge3A_1428, %broadcast_in_dim3A_1431, %broadcast_in_dim3A_1432 : vector<16xi1>, vector<16xi32>
    %add3A_1434 = arith.addi %add3A_1425, %select_n3A_1433 : vector<16xi32>
    %mul3A_1435 = arith.constant 1310720 : i32
    %mul3A_1436 = vector.broadcast %mul3A_1435 : i32 to vector<16xi32>
    %mul3A_1437 = arith.muli %add3A_1434, %mul3A_1436 : vector<16xi32>
    %mul3A_1438 = arith.constant 16384 : i32
    %mul3A_1439 = vector.broadcast %mul3A_1438 : i32 to vector<16xi32>
    %mul3A_1440 = arith.muli %get3A_1366, %mul3A_1439 : vector<16xi32>
    %add3A_1441 = arith.addi %mul3A_1437, %mul3A_1440 : vector<16xi32>
    %add3A_1442 = arith.addi %add3A_1441, %get3A_1363 : vector<16xi32>
    %jit3A_1443 = arith.constant 0 : i32
    %broadcast_in_dim3A_1444 = vector.broadcast %jit3A_1443 : i32 to vector<16xi32>
    %select_n3A_1445 = arith.select %ge3A_1360, %add3A_1442, %broadcast_in_dim3A_1444 : vector<16xi1>, vector<16xi32>
    %swap3A_1446 = arith.constant 208 : index
    %swap3A_1447 = tpu.vector_load %arg9[%swap3A_1446] {strides = array<i32>} : memref<256xi32, #tpu.memory_space<vmem>>, vector<16xi32>,
    %swap3A_1448 = vector.shape_cast %swap3A_1447 : vector<16xi32> to vector<16xi32>
    %swap3A_1449 = vector.shape_cast %select_n3A_1445 : vector<16xi32> to vector<16xi32>
    tpu.vector_store %arg9[%swap3A_1446], %swap3A_1449 {strides = array<i32>} : memref<256xi32, #tpu.memory_space<vmem>>, vector<16xi32>,
    %jit3A_1450 = arith.constant 0 : i32
    %broadcast_in_dim3A_1451 = vector.broadcast %jit3A_1450 : i32 to vector<16xi32>
    %select_n3A_1452 = arith.select %ge3A_1360, %get3A_1369, %broadcast_in_dim3A_1451 : vector<16xi1>, vector<16xi32>
    %swap3A_1453 = arith.constant 208 : index
    %swap3A_1454 = tpu.vector_load %arg10[%swap3A_1453] {strides = array<i32>} : memref<256xi32, #tpu.memory_space<vmem>>, vector<16xi32>,
    %swap3A_1455 = vector.shape_cast %swap3A_1454 : vector<16xi32> to vector<16xi32>
    %swap3A_1456 = vector.shape_cast %select_n3A_1452 : vector<16xi32> to vector<16xi32>
    tpu.vector_store %arg10[%swap3A_1453], %swap3A_1456 {strides = array<i32>} : memref<256xi32, #tpu.memory_space<vmem>>, vector<16xi32>,
    %iota3A_1457 = tpu.iota {dimensions = array<i32: 0>} : vector<16xi32>
    %add3A_1458 = arith.constant 224 : i32
    %add3A_1459 = vector.broadcast %add3A_1458 : i32 to vector<16xi32>
    %add3A_1460 = arith.addi %add3A_1459, %iota3A_1457 : vector<16xi32>
    %add3A_1461 = vector.broadcast %multiple_of3A : i32 to vector<16xi32>
    %add3A_1462 = arith.addi %add3A_1461, %add3A_1460 : vector<16xi32>
    %ge3A_1463 = vector.broadcast %mul3A_2 : i32 to vector<16xi32>
    %ge3A_1464 = arith.cmpi sge, %add3A_1462, %ge3A_1463 : vector<16xi32>
    %get3A_1465 = arith.constant 224 : index
    %get3A_1466 = tpu.vector_load %arg6[%get3A_1465] {strides = array<i32>} : memref<256xi32, #tpu.memory_space<vmem>>, vector<16xi32>,
    %get3A_1467 = vector.shape_cast %get3A_1466 : vector<16xi32> to vector<16xi32>
    %get3A_1468 = arith.constant 224 : index
    %get3A_1469 = tpu.vector_load %arg7[%get3A_1468] {strides = array<i32>} : memref<256xi32, #tpu.memory_space<vmem>>, vector<16xi32>,
    %get3A_1470 = vector.shape_cast %get3A_1469 : vector<16xi32> to vector<16xi32>
    %get3A_1471 = arith.constant 224 : index
    %get3A_1472 = tpu.vector_load %arg8[%get3A_1471] {strides = array<i32>} : memref<256xi32, #tpu.memory_space<vmem>>, vector<16xi32>,
    %get3A_1473 = vector.shape_cast %get3A_1472 : vector<16xi32> to vector<16xi32>
    %broadcast_in_dim3A_1474 = arith.constant 0 : i32
    %broadcast_in_dim3A_1475 = vector.broadcast %broadcast_in_dim3A_1474 : i32 to vector<16xi32>
    %ge3A_1476 = arith.constant 500 : i32
    %ge3A_1477 = vector.broadcast %ge3A_1476 : i32 to vector<16xi32>
    %ge3A_1478 = arith.cmpi sge, %add3A_1462, %ge3A_1477 : vector<16xi32>
    %jit3A_1479 = arith.constant 1 : i32
    %jit3A_1480 = arith.constant 0 : i32
    %broadcast_in_dim3A_1481 = vector.broadcast %jit3A_1479 : i32 to vector<16xi32>
    %broadcast_in_dim3A_1482 = vector.broadcast %jit3A_1480 : i32 to vector<16xi32>
    %select_n3A_1483 = arith.select %ge3A_1478, %broadcast_in_dim3A_1481, %broadcast_in_dim3A_1482 : vector<16xi1>, vector<16xi32>
    %add3A_1484 = arith.addi %broadcast_in_dim3A_1475, %select_n3A_1483 : vector<16xi32>
    %ge3A_1485 = arith.constant 1000 : i32
    %ge3A_1486 = vector.broadcast %ge3A_1485 : i32 to vector<16xi32>
    %ge3A_1487 = arith.cmpi sge, %add3A_1462, %ge3A_1486 : vector<16xi32>
    %jit3A_1488 = arith.constant 1 : i32
    %jit3A_1489 = arith.constant 0 : i32
    %broadcast_in_dim3A_1490 = vector.broadcast %jit3A_1488 : i32 to vector<16xi32>
    %broadcast_in_dim3A_1491 = vector.broadcast %jit3A_1489 : i32 to vector<16xi32>
    %select_n3A_1492 = arith.select %ge3A_1487, %broadcast_in_dim3A_1490, %broadcast_in_dim3A_1491 : vector<16xi1>, vector<16xi32>
    %add3A_1493 = arith.addi %add3A_1484, %select_n3A_1492 : vector<16xi32>
    %ge3A_1494 = arith.constant 1500 : i32
    %ge3A_1495 = vector.broadcast %ge3A_1494 : i32 to vector<16xi32>
    %ge3A_1496 = arith.cmpi sge, %add3A_1462, %ge3A_1495 : vector<16xi32>
    %jit3A_1497 = arith.constant 1 : i32
    %jit3A_1498 = arith.constant 0 : i32
    %broadcast_in_dim3A_1499 = vector.broadcast %jit3A_1497 : i32 to vector<16xi32>
    %broadcast_in_dim3A_1500 = vector.broadcast %jit3A_1498 : i32 to vector<16xi32>
    %select_n3A_1501 = arith.select %ge3A_1496, %broadcast_in_dim3A_1499, %broadcast_in_dim3A_1500 : vector<16xi1>, vector<16xi32>
    %add3A_1502 = arith.addi %add3A_1493, %select_n3A_1501 : vector<16xi32>
    %ge3A_1503 = arith.constant 2000 : i32
    %ge3A_1504 = vector.broadcast %ge3A_1503 : i32 to vector<16xi32>
    %ge3A_1505 = arith.cmpi sge, %add3A_1462, %ge3A_1504 : vector<16xi32>
    %jit3A_1506 = arith.constant 1 : i32
    %jit3A_1507 = arith.constant 0 : i32
    %broadcast_in_dim3A_1508 = vector.broadcast %jit3A_1506 : i32 to vector<16xi32>
    %broadcast_in_dim3A_1509 = vector.broadcast %jit3A_1507 : i32 to vector<16xi32>
    %select_n3A_1510 = arith.select %ge3A_1505, %broadcast_in_dim3A_1508, %broadcast_in_dim3A_1509 : vector<16xi1>, vector<16xi32>
    %add3A_1511 = arith.addi %add3A_1502, %select_n3A_1510 : vector<16xi32>
    %ge3A_1512 = arith.constant 2500 : i32
    %ge3A_1513 = vector.broadcast %ge3A_1512 : i32 to vector<16xi32>
    %ge3A_1514 = arith.cmpi sge, %add3A_1462, %ge3A_1513 : vector<16xi32>
    %jit3A_1515 = arith.constant 1 : i32
    %jit3A_1516 = arith.constant 0 : i32
    %broadcast_in_dim3A_1517 = vector.broadcast %jit3A_1515 : i32 to vector<16xi32>
    %broadcast_in_dim3A_1518 = vector.broadcast %jit3A_1516 : i32 to vector<16xi32>
    %select_n3A_1519 = arith.select %ge3A_1514, %broadcast_in_dim3A_1517, %broadcast_in_dim3A_1518 : vector<16xi1>, vector<16xi32>
    %add3A_1520 = arith.addi %add3A_1511, %select_n3A_1519 : vector<16xi32>
    %ge3A_1521 = arith.constant 3000 : i32
    %ge3A_1522 = vector.broadcast %ge3A_1521 : i32 to vector<16xi32>
    %ge3A_1523 = arith.cmpi sge, %add3A_1462, %ge3A_1522 : vector<16xi32>
    %jit3A_1524 = arith.constant 1 : i32
    %jit3A_1525 = arith.constant 0 : i32
    %broadcast_in_dim3A_1526 = vector.broadcast %jit3A_1524 : i32 to vector<16xi32>
    %broadcast_in_dim3A_1527 = vector.broadcast %jit3A_1525 : i32 to vector<16xi32>
    %select_n3A_1528 = arith.select %ge3A_1523, %broadcast_in_dim3A_1526, %broadcast_in_dim3A_1527 : vector<16xi1>, vector<16xi32>
    %add3A_1529 = arith.addi %add3A_1520, %select_n3A_1528 : vector<16xi32>
    %ge3A_1530 = arith.constant 3500 : i32
    %ge3A_1531 = vector.broadcast %ge3A_1530 : i32 to vector<16xi32>
    %ge3A_1532 = arith.cmpi sge, %add3A_1462, %ge3A_1531 : vector<16xi32>
    %jit3A_1533 = arith.constant 1 : i32
    %jit3A_1534 = arith.constant 0 : i32
    %broadcast_in_dim3A_1535 = vector.broadcast %jit3A_1533 : i32 to vector<16xi32>
    %broadcast_in_dim3A_1536 = vector.broadcast %jit3A_1534 : i32 to vector<16xi32>
    %select_n3A_1537 = arith.select %ge3A_1532, %broadcast_in_dim3A_1535, %broadcast_in_dim3A_1536 : vector<16xi1>, vector<16xi32>
    %add3A_1538 = arith.addi %add3A_1529, %select_n3A_1537 : vector<16xi32>
    %mul3A_1539 = arith.constant 1310720 : i32
    %mul3A_1540 = vector.broadcast %mul3A_1539 : i32 to vector<16xi32>
    %mul3A_1541 = arith.muli %add3A_1538, %mul3A_1540 : vector<16xi32>
    %mul3A_1542 = arith.constant 16384 : i32
    %mul3A_1543 = vector.broadcast %mul3A_1542 : i32 to vector<16xi32>
    %mul3A_1544 = arith.muli %get3A_1470, %mul3A_1543 : vector<16xi32>
    %add3A_1545 = arith.addi %mul3A_1541, %mul3A_1544 : vector<16xi32>
    %add3A_1546 = arith.addi %add3A_1545, %get3A_1467 : vector<16xi32>
    %jit3A_1547 = arith.constant 0 : i32
    %broadcast_in_dim3A_1548 = vector.broadcast %jit3A_1547 : i32 to vector<16xi32>
    %select_n3A_1549 = arith.select %ge3A_1464, %add3A_1546, %broadcast_in_dim3A_1548 : vector<16xi1>, vector<16xi32>
    %swap3A_1550 = arith.constant 224 : index
    %swap3A_1551 = tpu.vector_load %arg9[%swap3A_1550] {strides = array<i32>} : memref<256xi32, #tpu.memory_space<vmem>>, vector<16xi32>,
    %swap3A_1552 = vector.shape_cast %swap3A_1551 : vector<16xi32> to vector<16xi32>
    %swap3A_1553 = vector.shape_cast %select_n3A_1549 : vector<16xi32> to vector<16xi32>
    tpu.vector_store %arg9[%swap3A_1550], %swap3A_1553 {strides = array<i32>} : memref<256xi32, #tpu.memory_space<vmem>>, vector<16xi32>,
    %jit3A_1554 = arith.constant 0 : i32
    %broadcast_in_dim3A_1555 = vector.broadcast %jit3A_1554 : i32 to vector<16xi32>
    %select_n3A_1556 = arith.select %ge3A_1464, %get3A_1473, %broadcast_in_dim3A_1555 : vector<16xi1>, vector<16xi32>
    %swap3A_1557 = arith.constant 224 : index
    %swap3A_1558 = tpu.vector_load %arg10[%swap3A_1557] {strides = array<i32>} : memref<256xi32, #tpu.memory_space<vmem>>, vector<16xi32>,
    %swap3A_1559 = vector.shape_cast %swap3A_1558 : vector<16xi32> to vector<16xi32>
    %swap3A_1560 = vector.shape_cast %select_n3A_1556 : vector<16xi32> to vector<16xi32>
    tpu.vector_store %arg10[%swap3A_1557], %swap3A_1560 {strides = array<i32>} : memref<256xi32, #tpu.memory_space<vmem>>, vector<16xi32>,
    %iota3A_1561 = tpu.iota {dimensions = array<i32: 0>} : vector<16xi32>
    %add3A_1562 = arith.constant 240 : i32
    %add3A_1563 = vector.broadcast %add3A_1562 : i32 to vector<16xi32>
    %add3A_1564 = arith.addi %add3A_1563, %iota3A_1561 : vector<16xi32>
    %add3A_1565 = vector.broadcast %multiple_of3A : i32 to vector<16xi32>
    %add3A_1566 = arith.addi %add3A_1565, %add3A_1564 : vector<16xi32>
    %ge3A_1567 = vector.broadcast %mul3A_2 : i32 to vector<16xi32>
    %ge3A_1568 = arith.cmpi sge, %add3A_1566, %ge3A_1567 : vector<16xi32>
    %get3A_1569 = arith.constant 240 : index
    %get3A_1570 = tpu.vector_load %arg6[%get3A_1569] {strides = array<i32>} : memref<256xi32, #tpu.memory_space<vmem>>, vector<16xi32>,
    %get3A_1571 = vector.shape_cast %get3A_1570 : vector<16xi32> to vector<16xi32>
    %get3A_1572 = arith.constant 240 : index
    %get3A_1573 = tpu.vector_load %arg7[%get3A_1572] {strides = array<i32>} : memref<256xi32, #tpu.memory_space<vmem>>, vector<16xi32>,
    %get3A_1574 = vector.shape_cast %get3A_1573 : vector<16xi32> to vector<16xi32>
    %get3A_1575 = arith.constant 240 : index
    %get3A_1576 = tpu.vector_load %arg8[%get3A_1575] {strides = array<i32>} : memref<256xi32, #tpu.memory_space<vmem>>, vector<16xi32>,
    %get3A_1577 = vector.shape_cast %get3A_1576 : vector<16xi32> to vector<16xi32>
    %broadcast_in_dim3A_1578 = arith.constant 0 : i32
    %broadcast_in_dim3A_1579 = vector.broadcast %broadcast_in_dim3A_1578 : i32 to vector<16xi32>
    %ge3A_1580 = arith.constant 500 : i32
    %ge3A_1581 = vector.broadcast %ge3A_1580 : i32 to vector<16xi32>
    %ge3A_1582 = arith.cmpi sge, %add3A_1566, %ge3A_1581 : vector<16xi32>
    %jit3A_1583 = arith.constant 1 : i32
    %jit3A_1584 = arith.constant 0 : i32
    %broadcast_in_dim3A_1585 = vector.broadcast %jit3A_1583 : i32 to vector<16xi32>
    %broadcast_in_dim3A_1586 = vector.broadcast %jit3A_1584 : i32 to vector<16xi32>
    %select_n3A_1587 = arith.select %ge3A_1582, %broadcast_in_dim3A_1585, %broadcast_in_dim3A_1586 : vector<16xi1>, vector<16xi32>
    %add3A_1588 = arith.addi %broadcast_in_dim3A_1579, %select_n3A_1587 : vector<16xi32>
    %ge3A_1589 = arith.constant 1000 : i32
    %ge3A_1590 = vector.broadcast %ge3A_1589 : i32 to vector<16xi32>
    %ge3A_1591 = arith.cmpi sge, %add3A_1566, %ge3A_1590 : vector<16xi32>
    %jit3A_1592 = arith.constant 1 : i32
    %jit3A_1593 = arith.constant 0 : i32
    %broadcast_in_dim3A_1594 = vector.broadcast %jit3A_1592 : i32 to vector<16xi32>
    %broadcast_in_dim3A_1595 = vector.broadcast %jit3A_1593 : i32 to vector<16xi32>
    %select_n3A_1596 = arith.select %ge3A_1591, %broadcast_in_dim3A_1594, %broadcast_in_dim3A_1595 : vector<16xi1>, vector<16xi32>
    %add3A_1597 = arith.addi %add3A_1588, %select_n3A_1596 : vector<16xi32>
    %ge3A_1598 = arith.constant 1500 : i32
    %ge3A_1599 = vector.broadcast %ge3A_1598 : i32 to vector<16xi32>
    %ge3A_1600 = arith.cmpi sge, %add3A_1566, %ge3A_1599 : vector<16xi32>
    %jit3A_1601 = arith.constant 1 : i32
    %jit3A_1602 = arith.constant 0 : i32
    %broadcast_in_dim3A_1603 = vector.broadcast %jit3A_1601 : i32 to vector<16xi32>
    %broadcast_in_dim3A_1604 = vector.broadcast %jit3A_1602 : i32 to vector<16xi32>
    %select_n3A_1605 = arith.select %ge3A_1600, %broadcast_in_dim3A_1603, %broadcast_in_dim3A_1604 : vector<16xi1>, vector<16xi32>
    %add3A_1606 = arith.addi %add3A_1597, %select_n3A_1605 : vector<16xi32>
    %ge3A_1607 = arith.constant 2000 : i32
    %ge3A_1608 = vector.broadcast %ge3A_1607 : i32 to vector<16xi32>
    %ge3A_1609 = arith.cmpi sge, %add3A_1566, %ge3A_1608 : vector<16xi32>
    %jit3A_1610 = arith.constant 1 : i32
    %jit3A_1611 = arith.constant 0 : i32
    %broadcast_in_dim3A_1612 = vector.broadcast %jit3A_1610 : i32 to vector<16xi32>
    %broadcast_in_dim3A_1613 = vector.broadcast %jit3A_1611 : i32 to vector<16xi32>
    %select_n3A_1614 = arith.select %ge3A_1609, %broadcast_in_dim3A_1612, %broadcast_in_dim3A_1613 : vector<16xi1>, vector<16xi32>
    %add3A_1615 = arith.addi %add3A_1606, %select_n3A_1614 : vector<16xi32>
    %ge3A_1616 = arith.constant 2500 : i32
    %ge3A_1617 = vector.broadcast %ge3A_1616 : i32 to vector<16xi32>
    %ge3A_1618 = arith.cmpi sge, %add3A_1566, %ge3A_1617 : vector<16xi32>
    %jit3A_1619 = arith.constant 1 : i32
    %jit3A_1620 = arith.constant 0 : i32
    %broadcast_in_dim3A_1621 = vector.broadcast %jit3A_1619 : i32 to vector<16xi32>
    %broadcast_in_dim3A_1622 = vector.broadcast %jit3A_1620 : i32 to vector<16xi32>
    %select_n3A_1623 = arith.select %ge3A_1618, %broadcast_in_dim3A_1621, %broadcast_in_dim3A_1622 : vector<16xi1>, vector<16xi32>
    %add3A_1624 = arith.addi %add3A_1615, %select_n3A_1623 : vector<16xi32>
    %ge3A_1625 = arith.constant 3000 : i32
    %ge3A_1626 = vector.broadcast %ge3A_1625 : i32 to vector<16xi32>
    %ge3A_1627 = arith.cmpi sge, %add3A_1566, %ge3A_1626 : vector<16xi32>
    %jit3A_1628 = arith.constant 1 : i32
    %jit3A_1629 = arith.constant 0 : i32
    %broadcast_in_dim3A_1630 = vector.broadcast %jit3A_1628 : i32 to vector<16xi32>
    %broadcast_in_dim3A_1631 = vector.broadcast %jit3A_1629 : i32 to vector<16xi32>
    %select_n3A_1632 = arith.select %ge3A_1627, %broadcast_in_dim3A_1630, %broadcast_in_dim3A_1631 : vector<16xi1>, vector<16xi32>
    %add3A_1633 = arith.addi %add3A_1624, %select_n3A_1632 : vector<16xi32>
    %ge3A_1634 = arith.constant 3500 : i32
    %ge3A_1635 = vector.broadcast %ge3A_1634 : i32 to vector<16xi32>
    %ge3A_1636 = arith.cmpi sge, %add3A_1566, %ge3A_1635 : vector<16xi32>
    %jit3A_1637 = arith.constant 1 : i32
    %jit3A_1638 = arith.constant 0 : i32
    %broadcast_in_dim3A_1639 = vector.broadcast %jit3A_1637 : i32 to vector<16xi32>
    %broadcast_in_dim3A_1640 = vector.broadcast %jit3A_1638 : i32 to vector<16xi32>
    %select_n3A_1641 = arith.select %ge3A_1636, %broadcast_in_dim3A_1639, %broadcast_in_dim3A_1640 : vector<16xi1>, vector<16xi32>
    %add3A_1642 = arith.addi %add3A_1633, %select_n3A_1641 : vector<16xi32>
    %mul3A_1643 = arith.constant 1310720 : i32
    %mul3A_1644 = vector.broadcast %mul3A_1643 : i32 to vector<16xi32>
    %mul3A_1645 = arith.muli %add3A_1642, %mul3A_1644 : vector<16xi32>
    %mul3A_1646 = arith.constant 16384 : i32
    %mul3A_1647 = vector.broadcast %mul3A_1646 : i32 to vector<16xi32>
    %mul3A_1648 = arith.muli %get3A_1574, %mul3A_1647 : vector<16xi32>
    %add3A_1649 = arith.addi %mul3A_1645, %mul3A_1648 : vector<16xi32>
    %add3A_1650 = arith.addi %add3A_1649, %get3A_1571 : vector<16xi32>
    %jit3A_1651 = arith.constant 0 : i32
    %broadcast_in_dim3A_1652 = vector.broadcast %jit3A_1651 : i32 to vector<16xi32>
    %select_n3A_1653 = arith.select %ge3A_1568, %add3A_1650, %broadcast_in_dim3A_1652 : vector<16xi1>, vector<16xi32>
    %swap3A_1654 = arith.constant 240 : index
    %swap3A_1655 = tpu.vector_load %arg9[%swap3A_1654] {strides = array<i32>} : memref<256xi32, #tpu.memory_space<vmem>>, vector<16xi32>,
    %swap3A_1656 = vector.shape_cast %swap3A_1655 : vector<16xi32> to vector<16xi32>
    %swap3A_1657 = vector.shape_cast %select_n3A_1653 : vector<16xi32> to vector<16xi32>
    tpu.vector_store %arg9[%swap3A_1654], %swap3A_1657 {strides = array<i32>} : memref<256xi32, #tpu.memory_space<vmem>>, vector<16xi32>,
    %jit3A_1658 = arith.constant 0 : i32
    %broadcast_in_dim3A_1659 = vector.broadcast %jit3A_1658 : i32 to vector<16xi32>
    %select_n3A_1660 = arith.select %ge3A_1568, %get3A_1577, %broadcast_in_dim3A_1659 : vector<16xi1>, vector<16xi32>
    %swap3A_1661 = arith.constant 240 : index
    %swap3A_1662 = tpu.vector_load %arg10[%swap3A_1661] {strides = array<i32>} : memref<256xi32, #tpu.memory_space<vmem>>, vector<16xi32>,
    %swap3A_1663 = vector.shape_cast %swap3A_1662 : vector<16xi32> to vector<16xi32>
    %swap3A_1664 = vector.shape_cast %select_n3A_1660 : vector<16xi32> to vector<16xi32>
    tpu.vector_store %arg10[%swap3A_1661], %swap3A_1664 {strides = array<i32>} : memref<256xi32, #tpu.memory_space<vmem>>, vector<16xi32>,
    %dma_start3A = arith.constant 0 : i32
    %dma_start3A_1665 = tpu.memref_slice %arg2[%dma_start3A] : memref<10485760xf32, #tpu.memory_space<hbm>> -> memref<10485760xf32, #tpu.memory_space<hbm>>
    tpu.enqueue_indirect_dma source(%dma_start3A_1665 : memref<10485760xf32, #tpu.memory_space<hbm>>) target(%arg11 : memref<256xf32, #tpu.memory_space<vmem>>) offsets(%arg9 : memref<256xi32, #tpu.memory_space<vmem>>) semaphore(%arg12 : memref<!tpu.dma_semaphore, #tpu.memory_space<semaphore_mem>>)
    %dma_wait3A = arith.constant 0 : i32
    %dma_wait3A_1666 = tpu.memref_slice %arg2[%dma_wait3A] : memref<10485760xf32, #tpu.memory_space<hbm>> -> memref<10485760xf32, #tpu.memory_space<hbm>>
    tpu.wait_indirect_dma semaphore(%arg12 : memref<!tpu.dma_semaphore, #tpu.memory_space<semaphore_mem>>) src(%dma_wait3A_1666 : memref<10485760xf32, #tpu.memory_space<hbm>>) dst(%arg11 : memref<256xf32, #tpu.memory_space<vmem>>)
    "tpu.region"() ({
      %run_scoped3A = tpu.sem_alloc : memref<!tpu.dma_semaphore, #tpu.memory_space<semaphore_mem>>
      %dma_start3A_1667 = tpu.memref_slice %arg4[%mul3A_2] : memref<4096xf32, #tpu.memory_space<hbm>> -> memref<256xf32, #tpu.memory_space<hbm>>
      %dma_start3A_1668 = tpu.memref_slice %arg4[%mul3A_2] : memref<4096xf32, #tpu.memory_space<hbm>> -> memref<256xf32, #tpu.memory_space<hbm>>
      tpu.enqueue_dma source(%arg11 : memref<256xf32, #tpu.memory_space<vmem>>) target(%dma_start3A_1668 : memref<256xf32, #tpu.memory_space<hbm>>) target_semaphore(%run_scoped3A : memref<!tpu.dma_semaphore, #tpu.memory_space<semaphore_mem>>)
      %dma_wait3A_1669 = tpu.memref_slice %arg4[%mul3A_2] : memref<4096xf32, #tpu.memory_space<hbm>> -> memref<256xf32, #tpu.memory_space<hbm>>
      %dma_wait3A_1670 = tpu.memref_slice %arg4[%mul3A_2] : memref<4096xf32, #tpu.memory_space<hbm>> -> memref<256xf32, #tpu.memory_space<hbm>>
      tpu.wait_dma2 semaphore(%run_scoped3A : memref<!tpu.dma_semaphore, #tpu.memory_space<semaphore_mem>>) src(%arg11 : memref<256xf32, #tpu.memory_space<vmem>>) dst(%dma_wait3A_1670 : memref<256xf32, #tpu.memory_space<hbm>>)
      tpu.yield
    }) : () -> ()
    "tpu.region"() ({
      %run_scoped3A = tpu.sem_alloc : memref<!tpu.dma_semaphore, #tpu.memory_space<semaphore_mem>>
      %dma_start3A_1667 = tpu.memref_slice %arg5[%mul3A_2] : memref<4096xi32, #tpu.memory_space<hbm>> -> memref<256xi32, #tpu.memory_space<hbm>>
      %dma_start3A_1668 = tpu.memref_slice %arg5[%mul3A_2] : memref<4096xi32, #tpu.memory_space<hbm>> -> memref<256xi32, #tpu.memory_space<hbm>>
      tpu.enqueue_dma source(%arg10 : memref<256xi32, #tpu.memory_space<vmem>>) target(%dma_start3A_1668 : memref<256xi32, #tpu.memory_space<hbm>>) target_semaphore(%run_scoped3A : memref<!tpu.dma_semaphore, #tpu.memory_space<semaphore_mem>>)
      %dma_wait3A_1669 = tpu.memref_slice %arg5[%mul3A_2] : memref<4096xi32, #tpu.memory_space<hbm>> -> memref<256xi32, #tpu.memory_space<hbm>>
      %dma_wait3A_1670 = tpu.memref_slice %arg5[%mul3A_2] : memref<4096xi32, #tpu.memory_space<hbm>> -> memref<256xi32, #tpu.memory_space<hbm>>
      tpu.wait_dma2 semaphore(%run_scoped3A : memref<!tpu.dma_semaphore, #tpu.memory_space<semaphore_mem>>) src(%arg10 : memref<256xi32, #tpu.memory_space<vmem>>) dst(%dma_wait3A_1670 : memref<256xi32, #tpu.memory_space<hbm>>)
      tpu.yield
    }) : () -> ()
    return
  }
}

module attributes {stable_mosaic.version = 14 : i64} {
  func.func @_neg_body(%arg0: i32, %arg1: memref<81920x128xf32, #tpu.memory_space<any>>, %arg2: memref<81920x128xf32, #tpu.memory_space<any>>, %arg3: memref<1xf32, #tpu.memory_space<smem>>, %arg4: memref<7x4096x128xf32, #tpu.memory_space<vmem>>, %arg5: memref<7x4096x128xf32, #tpu.memory_space<vmem>>, %arg6: memref<1xf32, #tpu.memory_space<smem>>, %arg7: memref<7x!tpu.dma_semaphore, #tpu.memory_space<semaphore_mem>>, %arg8: memref<7x!tpu.dma_semaphore, #tpu.memory_space<semaphore_mem>>) attributes {dimension_semantics = [#tpu.dimension_semantics<arbitrary>], iteration_bounds = array<i64: 20>, scalar_prefetch = 0 : i64, scratch_operands = 5 : i64, tpu.core_type = #tpu.core_type<tc>, window_params = [{}, {}, {transform_indices = @transform_2, window_bounds = array<i64: 1>}]} {
    %jit3A = arith.constant 7 : i32
    %eq3A = arith.constant 0 : i32
    %eq3A_0 = arith.cmpi eq, %jit3A, %eq3A : i32
    %jit3A_1 = arith.constant 1 : i32
    %select_n3A = arith.select %eq3A_0, %jit3A_1, %jit3A : i32
    %rem3A = arith.remsi %arg0, %select_n3A : i32
    %ne3A = arith.constant 0 : i32
    %ne3A_2 = arith.cmpi ne, %rem3A, %ne3A : i32
    %lt3A = arith.constant 0 : i32
    %lt3A_3 = arith.cmpi slt, %rem3A, %lt3A : i32
    %lt3A_4 = arith.constant 0 : i32
    %lt3A_5 = arith.cmpi slt, %select_n3A, %lt3A_4 : i32
    %ne3A_6 = arith.xori %lt3A_3, %lt3A_5 : i1
    %and3A = arith.andi %ne3A_6, %ne3A_2 : i1
    %add3A = arith.addi %rem3A, %select_n3A : i32
    %select_n3A_7 = arith.select %and3A, %add3A, %rem3A : i32
    %eq3A_8 = arith.constant 0 : i32
    %eq3A_9 = arith.cmpi eq, %arg0, %eq3A_8 : i32
    %convert_element_type3A = arith.extui %eq3A_9 : i1 to i32
    %cond3A = arith.constant 0 : i32
    %cond3A_10 = arith.cmpi ne, %convert_element_type3A, %cond3A : i32
    scf.if %cond3A_10 {
      %swap3A_72 = arith.constant 0.000000e+00 : f32
      %swap3A_73 = arith.constant 0 : index
      %swap3A_74 = memref.load %arg6[%swap3A_73] : memref<1xf32, #tpu.memory_space<smem>>
      memref.store %swap3A_72, %arg6[%swap3A_73] : memref<1xf32, #tpu.memory_space<smem>>
      %dma_start3A = arith.constant 0 : i32
      %dma_start3A_75 = arith.constant 0 : i32
      %dma_start3A_76 = tpu.memref_slice %arg7[%dma_start3A_75] : memref<7x!tpu.dma_semaphore, #tpu.memory_space<semaphore_mem>> -> memref<1x!tpu.dma_semaphore, #tpu.memory_space<semaphore_mem>>
      %dma_start3A_77 = tpu.memref_squeeze %dma_start3A_76 : memref<1x!tpu.dma_semaphore, #tpu.memory_space<semaphore_mem>> -> memref<!tpu.dma_semaphore, #tpu.memory_space<semaphore_mem>>
      %dma_start3A_78 = arith.constant 0 : i32
      %dma_start3A_79 = arith.constant 0 : i32
      %dma_start3A_80 = tpu.memref_slice %arg4[%dma_start3A, %dma_start3A_78, %dma_start3A_79] : memref<7x4096x128xf32, #tpu.memory_space<vmem>> -> memref<1x4096x128xf32, #tpu.memory_space<vmem>>
      %dma_start3A_81 = tpu.memref_squeeze %dma_start3A_80 : memref<1x4096x128xf32, #tpu.memory_space<vmem>> -> memref<4096x128xf32, #tpu.memory_space<vmem>>
      %dma_start3A_82 = arith.constant 0 : i32
      %dma_start3A_83 = arith.constant 0 : i32
      %dma_start3A_84 = tpu.memref_slice %arg1[%dma_start3A_82, %dma_start3A_83] : memref<81920x128xf32, #tpu.memory_space<any>> -> memref<4096x128xf32, #tpu.memory_space<any>>
      tpu.enqueue_dma source(%dma_start3A_84 : memref<4096x128xf32, #tpu.memory_space<any>>) target(%dma_start3A_81 : memref<4096x128xf32, #tpu.memory_space<vmem>>) target_semaphore(%dma_start3A_77 : memref<!tpu.dma_semaphore, #tpu.memory_space<semaphore_mem>>)
      %dma_start3A_85 = arith.constant 0 : i32
      %dma_start3A_86 = arith.constant 0 : i32
      %dma_start3A_87 = tpu.memref_slice %arg8[%dma_start3A_86] : memref<7x!tpu.dma_semaphore, #tpu.memory_space<semaphore_mem>> -> memref<1x!tpu.dma_semaphore, #tpu.memory_space<semaphore_mem>>
      %dma_start3A_88 = tpu.memref_squeeze %dma_start3A_87 : memref<1x!tpu.dma_semaphore, #tpu.memory_space<semaphore_mem>> -> memref<!tpu.dma_semaphore, #tpu.memory_space<semaphore_mem>>
      %dma_start3A_89 = arith.constant 0 : i32
      %dma_start3A_90 = arith.constant 0 : i32
      %dma_start3A_91 = tpu.memref_slice %arg5[%dma_start3A_85, %dma_start3A_89, %dma_start3A_90] : memref<7x4096x128xf32, #tpu.memory_space<vmem>> -> memref<1x4096x128xf32, #tpu.memory_space<vmem>>
      %dma_start3A_92 = tpu.memref_squeeze %dma_start3A_91 : memref<1x4096x128xf32, #tpu.memory_space<vmem>> -> memref<4096x128xf32, #tpu.memory_space<vmem>>
      %dma_start3A_93 = arith.constant 0 : i32
      %dma_start3A_94 = arith.constant 0 : i32
      %dma_start3A_95 = tpu.memref_slice %arg2[%dma_start3A_93, %dma_start3A_94] : memref<81920x128xf32, #tpu.memory_space<any>> -> memref<4096x128xf32, #tpu.memory_space<any>>
      tpu.enqueue_dma source(%dma_start3A_95 : memref<4096x128xf32, #tpu.memory_space<any>>) target(%dma_start3A_92 : memref<4096x128xf32, #tpu.memory_space<vmem>>) target_semaphore(%dma_start3A_88 : memref<!tpu.dma_semaphore, #tpu.memory_space<semaphore_mem>>)
      %dma_start3A_96 = arith.constant 1 : i32
      %dma_start3A_97 = arith.constant 1 : i32
      %dma_start3A_98 = tpu.memref_slice %arg7[%dma_start3A_97] : memref<7x!tpu.dma_semaphore, #tpu.memory_space<semaphore_mem>> -> memref<1x!tpu.dma_semaphore, #tpu.memory_space<semaphore_mem>>
      %dma_start3A_99 = tpu.memref_squeeze %dma_start3A_98 : memref<1x!tpu.dma_semaphore, #tpu.memory_space<semaphore_mem>> -> memref<!tpu.dma_semaphore, #tpu.memory_space<semaphore_mem>>
      %dma_start3A_100 = arith.constant 0 : i32
      %dma_start3A_101 = arith.constant 0 : i32
      %dma_start3A_102 = tpu.memref_slice %arg4[%dma_start3A_96, %dma_start3A_100, %dma_start3A_101] : memref<7x4096x128xf32, #tpu.memory_space<vmem>> -> memref<1x4096x128xf32, #tpu.memory_space<vmem>>
      %dma_start3A_103 = tpu.memref_squeeze %dma_start3A_102 : memref<1x4096x128xf32, #tpu.memory_space<vmem>> -> memref<4096x128xf32, #tpu.memory_space<vmem>>
      %dma_start3A_104 = arith.constant 4096 : i32
      %dma_start3A_105 = arith.constant 0 : i32
      %dma_start3A_106 = tpu.memref_slice %arg1[%dma_start3A_104, %dma_start3A_105] : memref<81920x128xf32, #tpu.memory_space<any>> -> memref<4096x128xf32, #tpu.memory_space<any>>
      tpu.enqueue_dma source(%dma_start3A_106 : memref<4096x128xf32, #tpu.memory_space<any>>) target(%dma_start3A_103 : memref<4096x128xf32, #tpu.memory_space<vmem>>) target_semaphore(%dma_start3A_99 : memref<!tpu.dma_semaphore, #tpu.memory_space<semaphore_mem>>)
      %dma_start3A_107 = arith.constant 1 : i32
      %dma_start3A_108 = arith.constant 1 : i32
      %dma_start3A_109 = tpu.memref_slice %arg8[%dma_start3A_108] : memref<7x!tpu.dma_semaphore, #tpu.memory_space<semaphore_mem>> -> memref<1x!tpu.dma_semaphore, #tpu.memory_space<semaphore_mem>>
      %dma_start3A_110 = tpu.memref_squeeze %dma_start3A_109 : memref<1x!tpu.dma_semaphore, #tpu.memory_space<semaphore_mem>> -> memref<!tpu.dma_semaphore, #tpu.memory_space<semaphore_mem>>
      %dma_start3A_111 = arith.constant 0 : i32
      %dma_start3A_112 = arith.constant 0 : i32
      %dma_start3A_113 = tpu.memref_slice %arg5[%dma_start3A_107, %dma_start3A_111, %dma_start3A_112] : memref<7x4096x128xf32, #tpu.memory_space<vmem>> -> memref<1x4096x128xf32, #tpu.memory_space<vmem>>
      %dma_start3A_114 = tpu.memref_squeeze %dma_start3A_113 : memref<1x4096x128xf32, #tpu.memory_space<vmem>> -> memref<4096x128xf32, #tpu.memory_space<vmem>>
      %dma_start3A_115 = arith.constant 4096 : i32
      %dma_start3A_116 = arith.constant 0 : i32
      %dma_start3A_117 = tpu.memref_slice %arg2[%dma_start3A_115, %dma_start3A_116] : memref<81920x128xf32, #tpu.memory_space<any>> -> memref<4096x128xf32, #tpu.memory_space<any>>
      tpu.enqueue_dma source(%dma_start3A_117 : memref<4096x128xf32, #tpu.memory_space<any>>) target(%dma_start3A_114 : memref<4096x128xf32, #tpu.memory_space<vmem>>) target_semaphore(%dma_start3A_110 : memref<!tpu.dma_semaphore, #tpu.memory_space<semaphore_mem>>)
      %dma_start3A_118 = arith.constant 2 : i32
      %dma_start3A_119 = arith.constant 2 : i32
      %dma_start3A_120 = tpu.memref_slice %arg7[%dma_start3A_119] : memref<7x!tpu.dma_semaphore, #tpu.memory_space<semaphore_mem>> -> memref<1x!tpu.dma_semaphore, #tpu.memory_space<semaphore_mem>>
      %dma_start3A_121 = tpu.memref_squeeze %dma_start3A_120 : memref<1x!tpu.dma_semaphore, #tpu.memory_space<semaphore_mem>> -> memref<!tpu.dma_semaphore, #tpu.memory_space<semaphore_mem>>
      %dma_start3A_122 = arith.constant 0 : i32
      %dma_start3A_123 = arith.constant 0 : i32
      %dma_start3A_124 = tpu.memref_slice %arg4[%dma_start3A_118, %dma_start3A_122, %dma_start3A_123] : memref<7x4096x128xf32, #tpu.memory_space<vmem>> -> memref<1x4096x128xf32, #tpu.memory_space<vmem>>
      %dma_start3A_125 = tpu.memref_squeeze %dma_start3A_124 : memref<1x4096x128xf32, #tpu.memory_space<vmem>> -> memref<4096x128xf32, #tpu.memory_space<vmem>>
      %dma_start3A_126 = arith.constant 8192 : i32
      %dma_start3A_127 = arith.constant 0 : i32
      %dma_start3A_128 = tpu.memref_slice %arg1[%dma_start3A_126, %dma_start3A_127] : memref<81920x128xf32, #tpu.memory_space<any>> -> memref<4096x128xf32, #tpu.memory_space<any>>
      tpu.enqueue_dma source(%dma_start3A_128 : memref<4096x128xf32, #tpu.memory_space<any>>) target(%dma_start3A_125 : memref<4096x128xf32, #tpu.memory_space<vmem>>) target_semaphore(%dma_start3A_121 : memref<!tpu.dma_semaphore, #tpu.memory_space<semaphore_mem>>)
      %dma_start3A_129 = arith.constant 2 : i32
      %dma_start3A_130 = arith.constant 2 : i32
      %dma_start3A_131 = tpu.memref_slice %arg8[%dma_start3A_130] : memref<7x!tpu.dma_semaphore, #tpu.memory_space<semaphore_mem>> -> memref<1x!tpu.dma_semaphore, #tpu.memory_space<semaphore_mem>>
      %dma_start3A_132 = tpu.memref_squeeze %dma_start3A_131 : memref<1x!tpu.dma_semaphore, #tpu.memory_space<semaphore_mem>> -> memref<!tpu.dma_semaphore, #tpu.memory_space<semaphore_mem>>
      %dma_start3A_133 = arith.constant 0 : i32
      %dma_start3A_134 = arith.constant 0 : i32
      %dma_start3A_135 = tpu.memref_slice %arg5[%dma_start3A_129, %dma_start3A_133, %dma_start3A_134] : memref<7x4096x128xf32, #tpu.memory_space<vmem>> -> memref<1x4096x128xf32, #tpu.memory_space<vmem>>
      %dma_start3A_136 = tpu.memref_squeeze %dma_start3A_135 : memref<1x4096x128xf32, #tpu.memory_space<vmem>> -> memref<4096x128xf32, #tpu.memory_space<vmem>>
      %dma_start3A_137 = arith.constant 8192 : i32
      %dma_start3A_138 = arith.constant 0 : i32
      %dma_start3A_139 = tpu.memref_slice %arg2[%dma_start3A_137, %dma_start3A_138] : memref<81920x128xf32, #tpu.memory_space<any>> -> memref<4096x128xf32, #tpu.memory_space<any>>
      tpu.enqueue_dma source(%dma_start3A_139 : memref<4096x128xf32, #tpu.memory_space<any>>) target(%dma_start3A_136 : memref<4096x128xf32, #tpu.memory_space<vmem>>) target_semaphore(%dma_start3A_132 : memref<!tpu.dma_semaphore, #tpu.memory_space<semaphore_mem>>)
      %dma_start3A_140 = arith.constant 3 : i32
      %dma_start3A_141 = arith.constant 3 : i32
      %dma_start3A_142 = tpu.memref_slice %arg7[%dma_start3A_141] : memref<7x!tpu.dma_semaphore, #tpu.memory_space<semaphore_mem>> -> memref<1x!tpu.dma_semaphore, #tpu.memory_space<semaphore_mem>>
      %dma_start3A_143 = tpu.memref_squeeze %dma_start3A_142 : memref<1x!tpu.dma_semaphore, #tpu.memory_space<semaphore_mem>> -> memref<!tpu.dma_semaphore, #tpu.memory_space<semaphore_mem>>
      %dma_start3A_144 = arith.constant 0 : i32
      %dma_start3A_145 = arith.constant 0 : i32
      %dma_start3A_146 = tpu.memref_slice %arg4[%dma_start3A_140, %dma_start3A_144, %dma_start3A_145] : memref<7x4096x128xf32, #tpu.memory_space<vmem>> -> memref<1x4096x128xf32, #tpu.memory_space<vmem>>
      %dma_start3A_147 = tpu.memref_squeeze %dma_start3A_146 : memref<1x4096x128xf32, #tpu.memory_space<vmem>> -> memref<4096x128xf32, #tpu.memory_space<vmem>>
      %dma_start3A_148 = arith.constant 12288 : i32
      %dma_start3A_149 = arith.constant 0 : i32
      %dma_start3A_150 = tpu.memref_slice %arg1[%dma_start3A_148, %dma_start3A_149] : memref<81920x128xf32, #tpu.memory_space<any>> -> memref<4096x128xf32, #tpu.memory_space<any>>
      tpu.enqueue_dma source(%dma_start3A_150 : memref<4096x128xf32, #tpu.memory_space<any>>) target(%dma_start3A_147 : memref<4096x128xf32, #tpu.memory_space<vmem>>) target_semaphore(%dma_start3A_143 : memref<!tpu.dma_semaphore, #tpu.memory_space<semaphore_mem>>)
      %dma_start3A_151 = arith.constant 3 : i32
      %dma_start3A_152 = arith.constant 3 : i32
      %dma_start3A_153 = tpu.memref_slice %arg8[%dma_start3A_152] : memref<7x!tpu.dma_semaphore, #tpu.memory_space<semaphore_mem>> -> memref<1x!tpu.dma_semaphore, #tpu.memory_space<semaphore_mem>>
      %dma_start3A_154 = tpu.memref_squeeze %dma_start3A_153 : memref<1x!tpu.dma_semaphore, #tpu.memory_space<semaphore_mem>> -> memref<!tpu.dma_semaphore, #tpu.memory_space<semaphore_mem>>
      %dma_start3A_155 = arith.constant 0 : i32
      %dma_start3A_156 = arith.constant 0 : i32
      %dma_start3A_157 = tpu.memref_slice %arg5[%dma_start3A_151, %dma_start3A_155, %dma_start3A_156] : memref<7x4096x128xf32, #tpu.memory_space<vmem>> -> memref<1x4096x128xf32, #tpu.memory_space<vmem>>
      %dma_start3A_158 = tpu.memref_squeeze %dma_start3A_157 : memref<1x4096x128xf32, #tpu.memory_space<vmem>> -> memref<4096x128xf32, #tpu.memory_space<vmem>>
      %dma_start3A_159 = arith.constant 12288 : i32
      %dma_start3A_160 = arith.constant 0 : i32
      %dma_start3A_161 = tpu.memref_slice %arg2[%dma_start3A_159, %dma_start3A_160] : memref<81920x128xf32, #tpu.memory_space<any>> -> memref<4096x128xf32, #tpu.memory_space<any>>
      tpu.enqueue_dma source(%dma_start3A_161 : memref<4096x128xf32, #tpu.memory_space<any>>) target(%dma_start3A_158 : memref<4096x128xf32, #tpu.memory_space<vmem>>) target_semaphore(%dma_start3A_154 : memref<!tpu.dma_semaphore, #tpu.memory_space<semaphore_mem>>)
      %dma_start3A_162 = arith.constant 4 : i32
      %dma_start3A_163 = arith.constant 4 : i32
      %dma_start3A_164 = tpu.memref_slice %arg7[%dma_start3A_163] : memref<7x!tpu.dma_semaphore, #tpu.memory_space<semaphore_mem>> -> memref<1x!tpu.dma_semaphore, #tpu.memory_space<semaphore_mem>>
      %dma_start3A_165 = tpu.memref_squeeze %dma_start3A_164 : memref<1x!tpu.dma_semaphore, #tpu.memory_space<semaphore_mem>> -> memref<!tpu.dma_semaphore, #tpu.memory_space<semaphore_mem>>
      %dma_start3A_166 = arith.constant 0 : i32
      %dma_start3A_167 = arith.constant 0 : i32
      %dma_start3A_168 = tpu.memref_slice %arg4[%dma_start3A_162, %dma_start3A_166, %dma_start3A_167] : memref<7x4096x128xf32, #tpu.memory_space<vmem>> -> memref<1x4096x128xf32, #tpu.memory_space<vmem>>
      %dma_start3A_169 = tpu.memref_squeeze %dma_start3A_168 : memref<1x4096x128xf32, #tpu.memory_space<vmem>> -> memref<4096x128xf32, #tpu.memory_space<vmem>>
      %dma_start3A_170 = arith.constant 16384 : i32
      %dma_start3A_171 = arith.constant 0 : i32
      %dma_start3A_172 = tpu.memref_slice %arg1[%dma_start3A_170, %dma_start3A_171] : memref<81920x128xf32, #tpu.memory_space<any>> -> memref<4096x128xf32, #tpu.memory_space<any>>
      tpu.enqueue_dma source(%dma_start3A_172 : memref<4096x128xf32, #tpu.memory_space<any>>) target(%dma_start3A_169 : memref<4096x128xf32, #tpu.memory_space<vmem>>) target_semaphore(%dma_start3A_165 : memref<!tpu.dma_semaphore, #tpu.memory_space<semaphore_mem>>)
      %dma_start3A_173 = arith.constant 4 : i32
      %dma_start3A_174 = arith.constant 4 : i32
      %dma_start3A_175 = tpu.memref_slice %arg8[%dma_start3A_174] : memref<7x!tpu.dma_semaphore, #tpu.memory_space<semaphore_mem>> -> memref<1x!tpu.dma_semaphore, #tpu.memory_space<semaphore_mem>>
      %dma_start3A_176 = tpu.memref_squeeze %dma_start3A_175 : memref<1x!tpu.dma_semaphore, #tpu.memory_space<semaphore_mem>> -> memref<!tpu.dma_semaphore, #tpu.memory_space<semaphore_mem>>
      %dma_start3A_177 = arith.constant 0 : i32
      %dma_start3A_178 = arith.constant 0 : i32
      %dma_start3A_179 = tpu.memref_slice %arg5[%dma_start3A_173, %dma_start3A_177, %dma_start3A_178] : memref<7x4096x128xf32, #tpu.memory_space<vmem>> -> memref<1x4096x128xf32, #tpu.memory_space<vmem>>
      %dma_start3A_180 = tpu.memref_squeeze %dma_start3A_179 : memref<1x4096x128xf32, #tpu.memory_space<vmem>> -> memref<4096x128xf32, #tpu.memory_space<vmem>>
      %dma_start3A_181 = arith.constant 16384 : i32
      %dma_start3A_182 = arith.constant 0 : i32
      %dma_start3A_183 = tpu.memref_slice %arg2[%dma_start3A_181, %dma_start3A_182] : memref<81920x128xf32, #tpu.memory_space<any>> -> memref<4096x128xf32, #tpu.memory_space<any>>
      tpu.enqueue_dma source(%dma_start3A_183 : memref<4096x128xf32, #tpu.memory_space<any>>) target(%dma_start3A_180 : memref<4096x128xf32, #tpu.memory_space<vmem>>) target_semaphore(%dma_start3A_176 : memref<!tpu.dma_semaphore, #tpu.memory_space<semaphore_mem>>)
      %dma_start3A_184 = arith.constant 5 : i32
      %dma_start3A_185 = arith.constant 5 : i32
      %dma_start3A_186 = tpu.memref_slice %arg7[%dma_start3A_185] : memref<7x!tpu.dma_semaphore, #tpu.memory_space<semaphore_mem>> -> memref<1x!tpu.dma_semaphore, #tpu.memory_space<semaphore_mem>>
      %dma_start3A_187 = tpu.memref_squeeze %dma_start3A_186 : memref<1x!tpu.dma_semaphore, #tpu.memory_space<semaphore_mem>> -> memref<!tpu.dma_semaphore, #tpu.memory_space<semaphore_mem>>
      %dma_start3A_188 = arith.constant 0 : i32
      %dma_start3A_189 = arith.constant 0 : i32
      %dma_start3A_190 = tpu.memref_slice %arg4[%dma_start3A_184, %dma_start3A_188, %dma_start3A_189] : memref<7x4096x128xf32, #tpu.memory_space<vmem>> -> memref<1x4096x128xf32, #tpu.memory_space<vmem>>
      %dma_start3A_191 = tpu.memref_squeeze %dma_start3A_190 : memref<1x4096x128xf32, #tpu.memory_space<vmem>> -> memref<4096x128xf32, #tpu.memory_space<vmem>>
      %dma_start3A_192 = arith.constant 20480 : i32
      %dma_start3A_193 = arith.constant 0 : i32
      %dma_start3A_194 = tpu.memref_slice %arg1[%dma_start3A_192, %dma_start3A_193] : memref<81920x128xf32, #tpu.memory_space<any>> -> memref<4096x128xf32, #tpu.memory_space<any>>
      tpu.enqueue_dma source(%dma_start3A_194 : memref<4096x128xf32, #tpu.memory_space<any>>) target(%dma_start3A_191 : memref<4096x128xf32, #tpu.memory_space<vmem>>) target_semaphore(%dma_start3A_187 : memref<!tpu.dma_semaphore, #tpu.memory_space<semaphore_mem>>)
      %dma_start3A_195 = arith.constant 5 : i32
      %dma_start3A_196 = arith.constant 5 : i32
      %dma_start3A_197 = tpu.memref_slice %arg8[%dma_start3A_196] : memref<7x!tpu.dma_semaphore, #tpu.memory_space<semaphore_mem>> -> memref<1x!tpu.dma_semaphore, #tpu.memory_space<semaphore_mem>>
      %dma_start3A_198 = tpu.memref_squeeze %dma_start3A_197 : memref<1x!tpu.dma_semaphore, #tpu.memory_space<semaphore_mem>> -> memref<!tpu.dma_semaphore, #tpu.memory_space<semaphore_mem>>
      %dma_start3A_199 = arith.constant 0 : i32
      %dma_start3A_200 = arith.constant 0 : i32
      %dma_start3A_201 = tpu.memref_slice %arg5[%dma_start3A_195, %dma_start3A_199, %dma_start3A_200] : memref<7x4096x128xf32, #tpu.memory_space<vmem>> -> memref<1x4096x128xf32, #tpu.memory_space<vmem>>
      %dma_start3A_202 = tpu.memref_squeeze %dma_start3A_201 : memref<1x4096x128xf32, #tpu.memory_space<vmem>> -> memref<4096x128xf32, #tpu.memory_space<vmem>>
      %dma_start3A_203 = arith.constant 20480 : i32
      %dma_start3A_204 = arith.constant 0 : i32
      %dma_start3A_205 = tpu.memref_slice %arg2[%dma_start3A_203, %dma_start3A_204] : memref<81920x128xf32, #tpu.memory_space<any>> -> memref<4096x128xf32, #tpu.memory_space<any>>
      tpu.enqueue_dma source(%dma_start3A_205 : memref<4096x128xf32, #tpu.memory_space<any>>) target(%dma_start3A_202 : memref<4096x128xf32, #tpu.memory_space<vmem>>) target_semaphore(%dma_start3A_198 : memref<!tpu.dma_semaphore, #tpu.memory_space<semaphore_mem>>)
      %dma_start3A_206 = arith.constant 6 : i32
      %dma_start3A_207 = arith.constant 6 : i32
      %dma_start3A_208 = tpu.memref_slice %arg7[%dma_start3A_207] : memref<7x!tpu.dma_semaphore, #tpu.memory_space<semaphore_mem>> -> memref<1x!tpu.dma_semaphore, #tpu.memory_space<semaphore_mem>>
      %dma_start3A_209 = tpu.memref_squeeze %dma_start3A_208 : memref<1x!tpu.dma_semaphore, #tpu.memory_space<semaphore_mem>> -> memref<!tpu.dma_semaphore, #tpu.memory_space<semaphore_mem>>
      %dma_start3A_210 = arith.constant 0 : i32
      %dma_start3A_211 = arith.constant 0 : i32
      %dma_start3A_212 = tpu.memref_slice %arg4[%dma_start3A_206, %dma_start3A_210, %dma_start3A_211] : memref<7x4096x128xf32, #tpu.memory_space<vmem>> -> memref<1x4096x128xf32, #tpu.memory_space<vmem>>
      %dma_start3A_213 = tpu.memref_squeeze %dma_start3A_212 : memref<1x4096x128xf32, #tpu.memory_space<vmem>> -> memref<4096x128xf32, #tpu.memory_space<vmem>>
      %dma_start3A_214 = arith.constant 24576 : i32
      %dma_start3A_215 = arith.constant 0 : i32
      %dma_start3A_216 = tpu.memref_slice %arg1[%dma_start3A_214, %dma_start3A_215] : memref<81920x128xf32, #tpu.memory_space<any>> -> memref<4096x128xf32, #tpu.memory_space<any>>
      tpu.enqueue_dma source(%dma_start3A_216 : memref<4096x128xf32, #tpu.memory_space<any>>) target(%dma_start3A_213 : memref<4096x128xf32, #tpu.memory_space<vmem>>) target_semaphore(%dma_start3A_209 : memref<!tpu.dma_semaphore, #tpu.memory_space<semaphore_mem>>)
      %dma_start3A_217 = arith.constant 6 : i32
      %dma_start3A_218 = arith.constant 6 : i32
      %dma_start3A_219 = tpu.memref_slice %arg8[%dma_start3A_218] : memref<7x!tpu.dma_semaphore, #tpu.memory_space<semaphore_mem>> -> memref<1x!tpu.dma_semaphore, #tpu.memory_space<semaphore_mem>>
      %dma_start3A_220 = tpu.memref_squeeze %dma_start3A_219 : memref<1x!tpu.dma_semaphore, #tpu.memory_space<semaphore_mem>> -> memref<!tpu.dma_semaphore, #tpu.memory_space<semaphore_mem>>
      %dma_start3A_221 = arith.constant 0 : i32
      %dma_start3A_222 = arith.constant 0 : i32
      %dma_start3A_223 = tpu.memref_slice %arg5[%dma_start3A_217, %dma_start3A_221, %dma_start3A_222] : memref<7x4096x128xf32, #tpu.memory_space<vmem>> -> memref<1x4096x128xf32, #tpu.memory_space<vmem>>
      %dma_start3A_224 = tpu.memref_squeeze %dma_start3A_223 : memref<1x4096x128xf32, #tpu.memory_space<vmem>> -> memref<4096x128xf32, #tpu.memory_space<vmem>>
      %dma_start3A_225 = arith.constant 24576 : i32
      %dma_start3A_226 = arith.constant 0 : i32
      %dma_start3A_227 = tpu.memref_slice %arg2[%dma_start3A_225, %dma_start3A_226] : memref<81920x128xf32, #tpu.memory_space<any>> -> memref<4096x128xf32, #tpu.memory_space<any>>
      tpu.enqueue_dma source(%dma_start3A_227 : memref<4096x128xf32, #tpu.memory_space<any>>) target(%dma_start3A_224 : memref<4096x128xf32, #tpu.memory_space<vmem>>) target_semaphore(%dma_start3A_220 : memref<!tpu.dma_semaphore, #tpu.memory_space<semaphore_mem>>)
    } else {
    }
    %mul3A = arith.constant 4096 : i32
    %mul3A_11 = arith.muli %arg0, %mul3A : i32
    %dma_wait3A = tpu.memref_slice %arg7[%select_n3A_7] : memref<7x!tpu.dma_semaphore, #tpu.memory_space<semaphore_mem>> -> memref<1x!tpu.dma_semaphore, #tpu.memory_space<semaphore_mem>>
    %dma_wait3A_12 = tpu.memref_squeeze %dma_wait3A : memref<1x!tpu.dma_semaphore, #tpu.memory_space<semaphore_mem>> -> memref<!tpu.dma_semaphore, #tpu.memory_space<semaphore_mem>>
    %dma_wait3A_13 = arith.constant 0 : i32
    %dma_wait3A_14 = arith.constant 0 : i32
    %dma_wait3A_15 = tpu.memref_slice %arg4[%select_n3A_7, %dma_wait3A_13, %dma_wait3A_14] : memref<7x4096x128xf32, #tpu.memory_space<vmem>> -> memref<1x4096x128xf32, #tpu.memory_space<vmem>>
    %dma_wait3A_16 = tpu.memref_squeeze %dma_wait3A_15 : memref<1x4096x128xf32, #tpu.memory_space<vmem>> -> memref<4096x128xf32, #tpu.memory_space<vmem>>
    %dma_wait3A_17 = arith.constant 0 : i32
    %dma_wait3A_18 = tpu.memref_slice %arg1[%mul3A_11, %dma_wait3A_17] : memref<81920x128xf32, #tpu.memory_space<any>> -> memref<4096x128xf32, #tpu.memory_space<any>>
    tpu.wait_dma2 semaphore(%dma_wait3A_12 : memref<!tpu.dma_semaphore, #tpu.memory_space<semaphore_mem>>) src(%dma_wait3A_18 : memref<4096x128xf32, #tpu.memory_space<any>>) dst(%dma_wait3A_16 : memref<4096x128xf32, #tpu.memory_space<vmem>>)
    %mul3A_19 = arith.constant 4096 : i32
    %mul3A_20 = arith.muli %arg0, %mul3A_19 : i32
    %dma_wait3A_21 = tpu.memref_slice %arg8[%select_n3A_7] : memref<7x!tpu.dma_semaphore, #tpu.memory_space<semaphore_mem>> -> memref<1x!tpu.dma_semaphore, #tpu.memory_space<semaphore_mem>>
    %dma_wait3A_22 = tpu.memref_squeeze %dma_wait3A_21 : memref<1x!tpu.dma_semaphore, #tpu.memory_space<semaphore_mem>> -> memref<!tpu.dma_semaphore, #tpu.memory_space<semaphore_mem>>
    %dma_wait3A_23 = arith.constant 0 : i32
    %dma_wait3A_24 = arith.constant 0 : i32
    %dma_wait3A_25 = tpu.memref_slice %arg5[%select_n3A_7, %dma_wait3A_23, %dma_wait3A_24] : memref<7x4096x128xf32, #tpu.memory_space<vmem>> -> memref<1x4096x128xf32, #tpu.memory_space<vmem>>
    %dma_wait3A_26 = tpu.memref_squeeze %dma_wait3A_25 : memref<1x4096x128xf32, #tpu.memory_space<vmem>> -> memref<4096x128xf32, #tpu.memory_space<vmem>>
    %dma_wait3A_27 = arith.constant 0 : i32
    %dma_wait3A_28 = tpu.memref_slice %arg2[%mul3A_20, %dma_wait3A_27] : memref<81920x128xf32, #tpu.memory_space<any>> -> memref<4096x128xf32, #tpu.memory_space<any>>
    tpu.wait_dma2 semaphore(%dma_wait3A_22 : memref<!tpu.dma_semaphore, #tpu.memory_space<semaphore_mem>>) src(%dma_wait3A_28 : memref<4096x128xf32, #tpu.memory_space<any>>) dst(%dma_wait3A_26 : memref<4096x128xf32, #tpu.memory_space<vmem>>)
    %get3A = arith.index_cast %select_n3A_7 : i32 to index
    %get3A_29 = arith.constant 0 : index
    %get3A_30 = arith.constant 0 : index
    %get3A_31 = vector.load %arg4[%get3A, %get3A_29, %get3A_30] : memref<7x4096x128xf32, #tpu.memory_space<vmem>>, vector<1x4096x128xf32>
    %get3A_32 = vector.shape_cast %get3A_31 : vector<1x4096x128xf32> to vector<4096x128xf32>
    %sub3A = arith.constant 1.000000e+00 : f32
    %sub3A_33 = vector.broadcast %sub3A : f32 to vector<4096x128xf32>
    %sub3A_34 = arith.subf %sub3A_33, %get3A_32 : vector<4096x128xf32>
    %max3A = arith.constant 9.99999974E-5 : f32
    %max3A_35 = vector.broadcast %max3A : f32 to vector<4096x128xf32>
    %max3A_36 = arith.maximumf %sub3A_34, %max3A_35 : vector<4096x128xf32>
    %log3A = math.log %max3A_36 : vector<4096x128xf32>
    %log3A_37 = arith.constant 2.000000e+00 : f32
    %log3A_38 = math.log %log3A_37 : f32
    %div3A = vector.broadcast %log3A_38 : f32 to vector<4096x128xf32>
    %div3A_39 = arith.divf %log3A, %div3A : vector<4096x128xf32>
    %get3A_40 = arith.index_cast %select_n3A_7 : i32 to index
    %get3A_41 = arith.constant 0 : index
    %get3A_42 = arith.constant 0 : index
    %get3A_43 = vector.load %arg5[%get3A_40, %get3A_41, %get3A_42] : memref<7x4096x128xf32, #tpu.memory_space<vmem>>, vector<1x4096x128xf32>
    %get3A_44 = vector.shape_cast %get3A_43 : vector<1x4096x128xf32> to vector<4096x128xf32>
    %sub3A_45 = arith.constant 1.000000e+00 : f32
    %sub3A_46 = vector.broadcast %sub3A_45 : f32 to vector<4096x128xf32>
    %sub3A_47 = arith.subf %sub3A_46, %get3A_44 : vector<4096x128xf32>
    %mul3A_48 = arith.mulf %sub3A_47, %sub3A_47 : vector<4096x128xf32>
    %mul3A_49 = arith.mulf %get3A_32, %mul3A_48 : vector<4096x128xf32>
    %get3A_50 = arith.constant 0 : index
    %get3A_51 = memref.load %arg6[%get3A_50] : memref<1xf32, #tpu.memory_space<smem>>
    %mul3A_52 = arith.mulf %mul3A_49, %mul3A_49 : vector<4096x128xf32>
    %mul3A_53 = arith.mulf %div3A_39, %mul3A_52 : vector<4096x128xf32>
    %reduce_sum3A = vector.shape_cast %mul3A_53 : vector<4096x128xf32> to vector<1x4096x128xf32>
    %reduce_sum3A_54 = arith.constant dense<0.000000e+00> : vector<1xf32>
    %reduce_sum3A_55 = vector.multi_reduction <add>, %reduce_sum3A, %reduce_sum3A_54 [1, 2] : vector<1x4096x128xf32> to vector<1xf32>
    %reduce_sum3A_56 = vector.shape_cast %reduce_sum3A_55 : vector<1xf32> to vector<1x1x1xf32>
    %reduce_sum3A_57 = vector.extract %reduce_sum3A_56[0, 0, 0] : f32 from vector<1x1x1xf32>
    %add3A_58 = arith.addf %get3A_51, %reduce_sum3A_57 : f32
    %swap3A = arith.constant 0 : index
    %swap3A_59 = memref.load %arg6[%swap3A] : memref<1xf32, #tpu.memory_space<smem>>
    memref.store %add3A_58, %arg6[%swap3A] : memref<1xf32, #tpu.memory_space<smem>>
    %add3A_60 = arith.constant 7 : i32
    %add3A_61 = arith.addi %arg0, %add3A_60 : i32
    %lt3A_62 = arith.constant 20 : i32
    %lt3A_63 = arith.cmpi slt, %add3A_61, %lt3A_62 : i32
    %convert_element_type3A_64 = arith.extui %lt3A_63 : i1 to i32
    %cond3A_65 = arith.constant 0 : i32
    %cond3A_66 = arith.cmpi ne, %convert_element_type3A_64, %cond3A_65 : i32
    scf.if %cond3A_66 {
      %mul3A_72 = arith.constant 4096 : i32
      %mul3A_73 = arith.muli %add3A_61, %mul3A_72 : i32
      %dma_start3A = tpu.memref_slice %arg7[%select_n3A_7] : memref<7x!tpu.dma_semaphore, #tpu.memory_space<semaphore_mem>> -> memref<1x!tpu.dma_semaphore, #tpu.memory_space<semaphore_mem>>
      %dma_start3A_74 = tpu.memref_squeeze %dma_start3A : memref<1x!tpu.dma_semaphore, #tpu.memory_space<semaphore_mem>> -> memref<!tpu.dma_semaphore, #tpu.memory_space<semaphore_mem>>
      %dma_start3A_75 = arith.constant 0 : i32
      %dma_start3A_76 = arith.constant 0 : i32
      %dma_start3A_77 = tpu.memref_slice %arg4[%select_n3A_7, %dma_start3A_75, %dma_start3A_76] : memref<7x4096x128xf32, #tpu.memory_space<vmem>> -> memref<1x4096x128xf32, #tpu.memory_space<vmem>>
      %dma_start3A_78 = tpu.memref_squeeze %dma_start3A_77 : memref<1x4096x128xf32, #tpu.memory_space<vmem>> -> memref<4096x128xf32, #tpu.memory_space<vmem>>
      %dma_start3A_79 = arith.constant 0 : i32
      %dma_start3A_80 = tpu.memref_slice %arg1[%mul3A_73, %dma_start3A_79] : memref<81920x128xf32, #tpu.memory_space<any>> -> memref<4096x128xf32, #tpu.memory_space<any>>
      tpu.enqueue_dma source(%dma_start3A_80 : memref<4096x128xf32, #tpu.memory_space<any>>) target(%dma_start3A_78 : memref<4096x128xf32, #tpu.memory_space<vmem>>) target_semaphore(%dma_start3A_74 : memref<!tpu.dma_semaphore, #tpu.memory_space<semaphore_mem>>)
      %mul3A_81 = arith.constant 4096 : i32
      %mul3A_82 = arith.muli %add3A_61, %mul3A_81 : i32
      %dma_start3A_83 = tpu.memref_slice %arg8[%select_n3A_7] : memref<7x!tpu.dma_semaphore, #tpu.memory_space<semaphore_mem>> -> memref<1x!tpu.dma_semaphore, #tpu.memory_space<semaphore_mem>>
      %dma_start3A_84 = tpu.memref_squeeze %dma_start3A_83 : memref<1x!tpu.dma_semaphore, #tpu.memory_space<semaphore_mem>> -> memref<!tpu.dma_semaphore, #tpu.memory_space<semaphore_mem>>
      %dma_start3A_85 = arith.constant 0 : i32
      %dma_start3A_86 = arith.constant 0 : i32
      %dma_start3A_87 = tpu.memref_slice %arg5[%select_n3A_7, %dma_start3A_85, %dma_start3A_86] : memref<7x4096x128xf32, #tpu.memory_space<vmem>> -> memref<1x4096x128xf32, #tpu.memory_space<vmem>>
      %dma_start3A_88 = tpu.memref_squeeze %dma_start3A_87 : memref<1x4096x128xf32, #tpu.memory_space<vmem>> -> memref<4096x128xf32, #tpu.memory_space<vmem>>
      %dma_start3A_89 = arith.constant 0 : i32
      %dma_start3A_90 = tpu.memref_slice %arg2[%mul3A_82, %dma_start3A_89] : memref<81920x128xf32, #tpu.memory_space<any>> -> memref<4096x128xf32, #tpu.memory_space<any>>
      tpu.enqueue_dma source(%dma_start3A_90 : memref<4096x128xf32, #tpu.memory_space<any>>) target(%dma_start3A_88 : memref<4096x128xf32, #tpu.memory_space<vmem>>) target_semaphore(%dma_start3A_84 : memref<!tpu.dma_semaphore, #tpu.memory_space<semaphore_mem>>)
    } else {
    }
    %eq3A_67 = arith.constant 19 : i32
    %eq3A_68 = arith.cmpi eq, %arg0, %eq3A_67 : i32
    %convert_element_type3A_69 = arith.extui %eq3A_68 : i1 to i32
    %cond3A_70 = arith.constant 0 : i32
    %cond3A_71 = arith.cmpi ne, %convert_element_type3A_69, %cond3A_70 : i32
    scf.if %cond3A_71 {
      %get3A_72 = arith.constant 0 : index
      %get3A_73 = memref.load %arg6[%get3A_72] : memref<1xf32, #tpu.memory_space<smem>>
      %swap3A_74 = arith.constant 0 : index
      %swap3A_75 = memref.load %arg3[%swap3A_74] : memref<1xf32, #tpu.memory_space<smem>>
      memref.store %get3A_73, %arg3[%swap3A_74] : memref<1xf32, #tpu.memory_space<smem>>
    } else {
    }
    return
  }
  func.func @transform_2(%arg0: i32) -> i32 {
    %c0_i32 = arith.constant 0 : i32
    %c0_i32_0 = arith.constant 0 : i32
    return %c0_i32 : i32
  }
}

module attributes {stable_mosaic.version = 14 : i64} {
  func.func @_pos_body(%arg0: memref<32x128xf32, #tpu.memory_space<vmem>>, %arg1: memref<32x128xi32, #tpu.memory_space<vmem>>, %arg2: memref<1xf32, #tpu.memory_space<smem>>, %arg3: memref<1xf32, #tpu.memory_space<smem>>) attributes {dimension_semantics = [], scalar_prefetch = 0 : i64, scratch_operands = 0 : i64, tpu.core_type = #tpu.core_type<tc>} {
    %get3A = arith.constant 0 : index
    %get3A_0 = arith.constant 0 : index
    %get3A_1 = vector.load %arg0[%get3A, %get3A_0] : memref<32x128xf32, #tpu.memory_space<vmem>>, vector<32x128xf32>
    %jit3A = arith.constant 9.99999974E-5 : f32
    %jit3A_2 = arith.constant 0.999899983 : f32
    %max3A = vector.broadcast %jit3A : f32 to vector<32x128xf32>
    %max3A_3 = arith.maximumf %max3A, %get3A_1 : vector<32x128xf32>
    %min3A = vector.broadcast %jit3A_2 : f32 to vector<32x128xf32>
    %min3A_4 = arith.minimumf %min3A, %max3A_3 : vector<32x128xf32>
    %get3A_5 = arith.constant 0 : index
    %get3A_6 = arith.constant 0 : index
    %get3A_7 = vector.load %arg1[%get3A_5, %get3A_6] : memref<32x128xi32, #tpu.memory_space<vmem>>, vector<32x128xi32>
    %bitcast_convert_type3A = tpu.bitcast %get3A_7 : vector<32x128xi32> -> vector<32x128xf32>
    %sub3A = arith.constant 1.000000e+00 : f32
    %sub3A_8 = vector.broadcast %sub3A : f32 to vector<32x128xf32>
    %sub3A_9 = arith.subf %sub3A_8, %min3A_4 : vector<32x128xf32>
    %log3A = math.log %min3A_4 : vector<32x128xf32>
    %mul3A = arith.mulf %sub3A_9, %sub3A_9 : vector<32x128xf32>
    %mul3A_10 = arith.mulf %log3A, %mul3A : vector<32x128xf32>
    %mul3A_11 = arith.mulf %mul3A_10, %bitcast_convert_type3A : vector<32x128xf32>
    %reduce_sum3A = vector.shape_cast %mul3A_11 : vector<32x128xf32> to vector<1x32x128xf32>
    %reduce_sum3A_12 = arith.constant dense<0.000000e+00> : vector<1xf32>
    %reduce_sum3A_13 = vector.multi_reduction <add>, %reduce_sum3A, %reduce_sum3A_12 [1, 2] : vector<1x32x128xf32> to vector<1xf32>
    %reduce_sum3A_14 = vector.shape_cast %reduce_sum3A_13 : vector<1xf32> to vector<1x1x1xf32>
    %reduce_sum3A_15 = vector.extract %reduce_sum3A_14[0, 0, 0] : f32 from vector<1x1x1xf32>
    %reduce_sum3A_16 = vector.shape_cast %bitcast_convert_type3A : vector<32x128xf32> to vector<1x32x128xf32>
    %reduce_sum3A_17 = arith.constant dense<0.000000e+00> : vector<1xf32>
    %reduce_sum3A_18 = vector.multi_reduction <add>, %reduce_sum3A_16, %reduce_sum3A_17 [1, 2] : vector<1x32x128xf32> to vector<1xf32>
    %reduce_sum3A_19 = vector.shape_cast %reduce_sum3A_18 : vector<1xf32> to vector<1x1x1xf32>
    %reduce_sum3A_20 = vector.extract %reduce_sum3A_19[0, 0, 0] : f32 from vector<1x1x1xf32>
    %get3A_21 = arith.constant 0 : index
    %get3A_22 = memref.load %arg2[%get3A_21] : memref<1xf32, #tpu.memory_space<smem>>
    %mul3A_23 = arith.constant 0.693147182 : f32
    %mul3A_24 = arith.mulf %get3A_22, %mul3A_23 : f32
    %eq3A = arith.constant 0.000000e+00 : f32
    %eq3A_25 = arith.cmpf oeq, %reduce_sum3A_20, %eq3A : f32
    %neg3A = arith.constant 0.000000e+00 : f32
    %neg3A_26 = arith.subf %neg3A, %mul3A_24 : f32
    %add3A = arith.addf %reduce_sum3A_15, %mul3A_24 : f32
    %neg3A_27 = arith.constant 0.000000e+00 : f32
    %neg3A_28 = arith.subf %neg3A_27, %add3A : f32
    %div3A = arith.divf %neg3A_28, %reduce_sum3A_20 : f32
    %select_n3A = arith.select %eq3A_25, %neg3A_26, %div3A : f32
    %swap3A = arith.constant 0 : index
    %swap3A_29 = memref.load %arg3[%swap3A] : memref<1xf32, #tpu.memory_space<smem>>
    memref.store %select_n3A, %arg3[%swap3A] : memref<1xf32, #tpu.memory_space<smem>>
    return
  }
}

</mosaic_0001>

<sc_bundles>
// kernel: kernel.5.cloned.1.call-start
scs
__scs_entry_jumppad:
0x0: {  	(pc) =	sbr.rel $0x88, $3  }
0x1: {  	(tag) =	ssettag $0x0;
	lr =	simm.s32 $0x1  }
0x2: {  	[smem:$0x3F9C] =	sst lr;
	_ =	strace $0xD0000000  }
0x3: {  	_ = 	snop  }
0x4: {  	_ = 	snop  }
0x5: {  	_ = 	snop  }
0x6: {  	_ = 	snop  }
0x7: {  	_ = 	snop  }
__scs_overlays_trampoline_lowered:
0x8: {  	[smem:$0x3FAB] =	sst s0  }
0x9: {  	[smem:$0x3FAC] =	sst s1  }
0xa: {  	[smem:$0x3FAD] =	sst s2  }
0xb: {  	[smem:$0x3FAE] =	sst s3  }
0xc: {  	[smem:$0x3FAF] =	sst s4  }
0xd: {  	[smem:$0x3FB0] =	sst s5  }
0xe: {  	[smem:$0x3FB1] =	sst s6  }
0xf: {  	[smem:$0x3FB2] =	sst s7  }
0x10: {  	[smem:$0x3FB3] =	sst s8  }
0x11: {  	[smem:$0x3FB4] =	sst s9;
	s0 =	simm.s32 @!p0 $0x0  }
0x12: {  	s1 =	sld [smem:$0x3F9A];
	s0 =	simm.s32 @p0 $0x1  }
0x13: {  	[smem:$0x3FB5] =	sst s0;
	s0 =	simm.s32 @!p1 $0x0  }
0x14: {  	s2 =	sld [smem:$0x3F99];
	s0 =	simm.s32 @p1 $0x1  }
0x15: {  	[smem:$0x3FB6] =	sst s0;
	s0 =	simm.s32 @!p2 $0x0  }
0x16: {  	s3 =	sld [smem:$0x3FDB];
	s0 =	simm.s32 @p2 $0x1  }
0x17: {  	s4 =	simm.s32 $0x1BF5;
	[smem:$0x3FB8] =	sst s0  }
0x18: {  	s0 =	sld [smem:$0x3F9B];
	_ =	swait.ge [sflag:s4], $0x0  }
0x19: {  	s7 =	sld [smem:$0x3F9C]  }
0x1a: {  	s8 =	sadd.s32 $0xFFFFE003, lr  }
0x1b: {  	s9 =	sadd.s32 $0xFFFFFEF7, lr;
	s5 =	simm.s32 $0xFFFFFFFF;
	p2 =	slt.u32 s8, $0xFFFFF086  }
0x1c: {  	p1 =	slt.u32 s9, $0xF7A;
	s5 =	simm.s32 @!p2 $0x0  }
0x1d: {  	s5 =	simm.s32 @p1 $0x1;
	p0 =	seq.s32 s7, s2  }
0x1e: {  	s7 =	smul.u32 @!p0 $0xF7A, s2;
	p2 =	seq.s32 @!p0 s5, $0x0  }
0x1f: {  	s9 =	smul.u32 $0xF7A, s1;
	s8 =	simm.s32 @!p0 $0x1BF5;
	p2 =	por !p2, p0  }
0x20: {  	[sflag:s8] =	ssyncset.s32 @!p0 $0xFFFFF086;
	s6 =	sadd.s32 @!p0 s3, s7;
	s7 =	simm.s32 @!p0 $0x108  }
0x21: {  	s3 =	sadd.s32 s3, s9;
	s6 =	sadd.s32 @!p0 $0x88, s6;
	s7 =	simm.s32 @p2 $0x1082  }
0x22: {  	[simem:s7], [sflag:s8] =	dma.local @!p0 [hbm:s6], $0xF7A  }
0x23: {  	s9 =	sor.u32 $0xD0000000, s2;
	s6 =	simm.s32 $0x108;
	_ =	swait.ge @!p0 [sflag:s8], $0x0  }
0x24: {  	s3 =	sadd.s32 $0x88, s3;
	s6 =	simm.s32 @!p1 $0x1082;
	[sflag:s4] =	ssyncset.s32 $0xFFFFF086  }
0x25: {  	[simem:s6], [sflag:s4] =	dma.local [hbm:s3], $0xF7A  }
0x26: {  	[smem:$0x3F9C] =	sst s1;
	(tag) =	ssettag s2;
	_ =	strace s9  }
0x27: {  	s1 =	sld [smem:$0x3FAC]  }
0x28: {  	s2 =	sld [smem:$0x3FAD]  }
0x29: {  	s4 =	sld [smem:$0x3FAF]  }
0x2a: {  	p0 =	seq.s32 s5, $0x0;
	s5 =	sld [smem:$0x3FB0]  }
0x2b: {  	s6 =	sld [smem:$0x3FB1]  }
0x2c: {  	s7 =	sld [smem:$0x3FB2]  }
0x2d: {  	s3 =	simm.s32 $0x108;
	s8 =	sld [smem:$0x3FB3]  }
0x2e: {  	s3 =	simm.s32 @!p0 $0x1082;
	s9 =	sld [smem:$0x3FB4]  }
0x2f: {  	lr =	sadd.s32 s0, s3;
	s0 =	sld [smem:$0x3FAB]  }
0x30: {  	s3 =	sld [smem:$0x3FAE]  }
0x31: {  	[smem:$0x3FB7] =	sst s10  }
0x32: {  	s10 =	sld [smem:$0x3FB5];
	_ =	sdelay $0x3  }
0x33: {  	p0 =	seq.s32 s10, $0x1;
	s10 =	sld [smem:$0x3FB7];
	_ =	sdelay $0x3  }
0x34: {  	[smem:$0x3FB7] =	sst s10  }
0x35: {  	s10 =	sld [smem:$0x3FB6];
	_ =	sdelay $0x3  }
0x36: {  	p1 =	seq.s32 s10, $0x1;
	s10 =	sld [smem:$0x3FB7];
	_ =	sdelay $0x3  }
0x37: {  	[smem:$0x3FB7] =	sst s10  }
0x38: {  	s10 =	sld [smem:$0x3FB8]  }
0x39: {  	_ = 	snop;
	(pc) =	sbr.ind lr, $3  }
0x3a: {  	_ = 	snop  }
0x3b: {  	_ = 	snop  }
0x3c: {  	p2 =	seq.s32 s10, $0x1;
	s10 =	sld [smem:$0x3FB7]  }
0x3d: {  	_ =	shalt  }
0x3e: {  	_ =	shalt  }
0x3f: {  	_ =	shalt  }
0x40: {  	_ =	shalt  }
0x41: {  	_ =	shalt  }
0x42: {  	_ =	shalt  }
0x43: {  	_ =	shalt  }
0x44: {  	_ =	shalt  }
0x45: {  	_ =	shalt  }
0x46: {  	_ =	shalt  }
0x47: {  	_ =	shalt  }
0x48: {  	_ =	shalt  }
0x49: {  	_ =	shalt  }
0x4a: {  	_ =	shalt  }
0x4b: {  	_ =	shalt  }
0x4c: {  	_ =	shalt  }
0x4d: {  	_ =	shalt  }
0x4e: {  	_ =	shalt  }
0x4f: {  	_ =	shalt  }
0x50: {  	_ =	shalt  }
0x51: {  	_ =	shalt  }
0x52: {  	_ =	shalt  }
0x53: {  	_ =	shalt  }
0x54: {  	_ =	shalt  }
0x55: {  	_ =	shalt  }
0x56: {  	_ =	shalt  }
0x57: {  	_ =	shalt  }
0x58: {  	_ =	shalt  }
0x59: {  	_ =	shalt  }
0x5a: {  	_ =	shalt  }
0x5b: {  	_ =	shalt  }
0x5c: {  	_ =	shalt  }
0x5d: {  	_ =	shalt  }
0x5e: {  	_ =	shalt  }
0x5f: {  	_ =	shalt  }
0x60: {  	_ =	shalt  }
0x61: {  	_ =	shalt  }
0x62: {  	_ =	shalt  }
0x63: {  	_ =	shalt  }
0x64: {  	_ =	shalt  }
0x65: {  	_ =	shalt  }
0x66: {  	_ =	shalt  }
0x67: {  	_ =	shalt  }
0x68: {  	_ =	shalt  }
0x69: {  	_ =	shalt  }
0x6a: {  	_ =	shalt  }
0x6b: {  	_ =	shalt  }
0x6c: {  	_ =	shalt  }
0x6d: {  	_ =	shalt  }
0x6e: {  	_ =	shalt  }
0x6f: {  	_ =	shalt  }
0x70: {  	_ =	shalt  }
0x71: {  	_ =	shalt  }
0x72: {  	_ =	shalt  }
0x73: {  	_ =	shalt  }
0x74: {  	_ =	shalt  }
0x75: {  	_ =	shalt  }
0x76: {  	_ =	shalt  }
0x77: {  	_ =	shalt  }
0x78: {  	_ =	shalt  }
0x79: {  	_ =	shalt  }
0x7a: {  	_ =	shalt  }
0x7b: {  	_ =	shalt  }
0x7c: {  	_ =	shalt  }
0x7d: {  	_ =	shalt  }
0x7e: {  	_ =	shalt  }
0x7f: {  	_ =	shalt  }
0x80: {  	_ =	shalt  }
0x81: {  	_ =	shalt  }
0x82: {  	_ =	shalt  }
0x83: {  	_ =	shalt  }
0x84: {  	_ =	shalt  }
0x85: {  	_ =	shalt  }
0x86: {  	_ =	shalt  }
0x87: {  	_ =	shalt  }
.Lfunc_end0:
.L_simem_size_0:
called_computation_lowered:
.L_overlay_start_0:
0x88: {  	s0 =	sld [smem:$0x3FD9]  }
0x89: {  	s1 =	sld [smem:$0x3FFE];
	_ =	sdelay $0x3  }
0x8a: {  	s0 =	sadd.s32 s1, s0  }
0x8b: {  	[smem:$0x3FC3] =	sst s0  }
0x8c: {  	_ = 	snop  }
0x8d: {  	s0 =	sld [smem:$0x3FC9];
	(tm) =	ssettm $0x1  }
0x8e: {  	s16 =	sld [smem:$0x3FFB];
	_ =	sdelay $0x3  }
0x8f: {  	_ =	strace s16  }
0x90: {  	s1 =	sld [smem:$0x3FFC];
	_ =	sdelay $0x3  }
0x91: {  	_ =	strace s1  }
0x92: {  	s1 =	sld [smem:$0x3FFD];
	_ =	sdelay $0x3  }
0x93: {  	_ =	strace s1  }
0x94: {  	_ =	strace $0x8FFFFFFF  }
0x95: {  	s17 =	sld [smem:$0x3FDB];
	_ =	sdelay $0x1  }
0x96: {  	s2 =	simm.s32 $_scs_section_size  }
0x97: {  	s3 =	simm.s32 $_size__tile_overlayer_lowered;
	s4 =	simm.s32 $_tile_overlayer_lowered  }
0x98: {  	s20 =	simm.s32 $0x1BFF;
	s19 =	sshll.u32 s4, $0x1;
	s1 =	sadd.s32 s2, s17  }
0x99: {  	s5 =	simm.s32 $0x0;
	s18 =	sshll.u32 s3, $0x1;
	s3 =	sadd.s32 s19, s1  }
0x9a: {  	[timem:s5], [sflag:s20] =	dma.local [hbm:s3], s18  }
0x9b: {  	_ =	swait.ge [sflag:s20], s18  }
0x9c: {  	s2 =	ssub.s32 $0x0, s18;
	[sflag:s20] =	ssyncset.done $0x0  }
0x9d: {  	[sflag:s20] =	ssyncadd.s32 s2;
	_ =	sdelay $0x1  }
0x9e: {  	s21 =	simm.s32 $0x1B8B  }
0x9f: {  	_ =	swait.ge [sflag:s21], $0x1  }
0xa0: {  	[sflag:s21] =	ssyncset.done $0x0  }
0xa1: {  	s23 =	simm.s32 $0x1B8E;
	s22 =	sld [smem:$0x3FFE];
	[sflag:s21] =	ssyncadd.s32 $0xFFFFFFFF  }
0xa2: {  	s24 =	simm.s32 $execute0_lowered;
	[smem:$0x3FD2] =	sst s23  }
0xa3: {  	s3 =	sshll.u32 s24, $0x1;
	_ =	strace $0x80000046;
	[dreg:$0x1] =	wrdreg $0xFFFFFFFF  }
0xa4: {  	s25 =	simm.s32 $_size_execute0_lowered;
	s1 =	sadd.s32 s1, s3;
	[dreg:$0x0] =	wrdreg $0x0  }
0xa5: {  	s3 =	sshll.u32 s25, $0x1;
	[dreg:$0x2] =	wrdreg s1  }
0xa6: {  	[dreg:$0x3] =	wrdreg s3  }
0xa7: {  	[dreg:$0x4] =	wrdreg $0xC0  }
0xa8: {  	_ =	task [dreg:s5], $0x5FFFF  }
0xa9: {  	[dreg:$0x1] =	wrdreg $0xFFFFFFFF  }
0xaa: {  	[dreg:$0x0] =	wrdreg $0x60  }
0xab: {  	[dreg:$0x2] =	wrdreg s0  }
0xac: {  	[dreg:$0x3] =	wrdreg s22  }
0xad: {  	[dreg:$0x4] =	wrdreg $0x9  }
0xae: {  	_ =	task.clear_ibuf [dreg:s5], $0x5FFFF;
	_ =	strace $0x90000046  }
0xaf: {  	s26 =	simm.s32 $0x9;
	_ =	strace $0x80000048  }
0xb0: {  	_ =	swait.ge [sflag:s26], $0x1  }
0xb1: {  	[sflag:s26] =	ssyncadd.s32 $0xFFFFFFFF  }
0xb2: {  	_ =	strace $0x90000048  }
0xb3: {  	_ =	sfence  }
0xb4: {  	s28 =	sld [smem:$0x0];
	_ =	sdelay $0x1  }
0xb5: {  	s29 =	srdreg.scid  }
0xb6: {  	s30 =	sshll.u32 s29, $0xD;
	s31 =	sshrl.u32 s29, $0x2  }
0xb7: {  	s2 =	sand.u32 $0x4000, s30;
	s1 =	sand.u32 $0x1, s29;
	s0 =	sadd.s32 s31, s28  }
0xb8: {  	s1 =	sor.u32 s2, s1;
	s0 =	sshll.u32 s0, $0x11  }
0xb9: {  	s0 =	sor.u32 s0, s1  }
0xba: {  	s0 =	sadd.s32 $0x8F2B, s0  }
0xbb: {  	[sflag:s0] =	ssyncadd.remote.s32 $0x1  }
0xbc: {  	_ =	sfence.sel $0xFFFF  }
0xbd: {  	[dreg:$0x0] =	wrdreg $0xFFFFFFFF;
	(pc) =	sbr.abs _section_cstart, $3  }
0xbe: {  	[dreg:$0x1] =	wrdreg $0xFFFFFFFF  }
0xbf: {  	_ =	task.clear_ibuf [dreg:s5], $0x2FFFF;
	_ =	strace $0x9FFFFFFF  }
0xc0: {  	(tm) =	ssettm $0x7FFFFFFF  }
0xc1: {  	_ =	shalt  }
tec
execute0_lowered:
.L_overlay_start_1:
0x0: {  	(tag) =	ssettag $0x1  }
0x1: {  	s0 =	stileid.u32;
	v1 =	vlaneseq.u32  }
0x2: {  	v0 =	vimm.s32 $0x0;
	s1 =	sshll.u32 s0, $0x8;
	v59 =	vor.u32 $0x10, v1;
	v11 =	vor.u32 $0x20, v1  }
0x3: {  	v21 =	vor.u32 $0x30, v1;
	v28 =	vor.u32 $0x40, v1;
	v35 =	vor.u32 $0x50, v1;
	s2 =	smin.u32 s1, $0xEA0  }
0x4: {  	v44 =	vor.u32 $0x60, v1;
	v2 =	vor.u32 s2, v1;
	v3 =	vmov s2  }
0x5: {  	v13 =	vadd.s32 s2, v11;
	v11 =	vor.u32 $0x70, v1;
	vm0 =	vlt.u32 v2, s1  }
0x6: {  	vm1 =	vgt.u32 v2, $0x1F3;
	vm2 =	vgt.u32 v2, $0x3E7;
	vm3 =	vgt.u32 v3, $0x7CF  }
0x7: {  	vm15 =	vgt.u32 v2, $0x5DB;
	vm4 =	vgt.u32 v2, $0x9C3;
	vm5 =	vgt.u32 v2, $0xBB7  }
0x8: {  	vm6 =	vgt.u32 v2, $0xDAB;
	vm14 =	vgt.u32 v13, $0x1F3;
	v52 =	vadd.s32 s2, v11  }
0x9: {  	v55 =	vsel vm2, $0x1, v0;
	v4 =	vsel vm3, $0x1, v0;
	v5 =	vsel vm1, $0x1, v0  }
0xa: {  	v6 =	vsel vm15, $0x1, v0;
	v56 =	vsel vm4, $0x1, v0;
	v57 =	vsel vm5, $0x1, v0  }
0xb: {  	v60 =	vsel vm6, $0x1, v0;
	vm15 =	vgt.u32 v13, $0x3E7;
	v3 =	vadd.s32 v4, v55  }
0xc: {  	v15 =	vsel vm14, $0x1, v0;
	vm6 =	vgt.u32 v13, $0x5DB;
	v3 =	vadd.s32 v5, v3  }
0xd: {  	vm2 =	vlt.u32 v13, s1;
	v16 =	vsel vm15, $0x1, v0;
	v3 =	vadd.s32 v6, v3  }
0xe: {  	v17 =	vsel vm6, $0x1, v0;
	v6 =	vadd.s32 s2, v21;
	v58 =	vadd.s32 v56, v3  }
0xf: {  	v3 =	vor.u32 s2, v59;
	vm4 =	vgt.u32 v6, $0x3E7;
	vm14 =	vgt.u32 v6, $0x9C3  }
0x10: {  	vm3 =	vlt.u32 v6, s1;
	vm15 =	vgt.u32 v6, $0xBB7;
	v2 =	vadd.s32 v57, v58  }
0x11: {  	vm7 =	vgt.u32 v3, $0x1F3;
	vm8 =	vgt.u32 v3, $0x3E7;
	vm9 =	vgt.u32 v3, $0x5DB  }
0x12: {  	vm10 =	vgt.u32 v3, $0x7CF;
	vm11 =	vgt.u32 v3, $0x9C3;
	vm1 =	vlt.u32 v3, s1  }
0x13: {  	vm12 =	vgt.u32 v3, $0xBB7;
	vm13 =	vgt.u32 v3, $0xDAB;
	v7 =	vsel vm4, $0x1, v0  }
0x14: {  	v26 =	vsel vm14, $0x1, v0;
	v27 =	vsel vm15, $0x1, v0;
	v2 =	vadd.s32 v60, v2  }
0x15: {  	v61 =	vsel vm7, $0x1, v0;
	v62 =	vsel vm8, $0x1, v0;
	v63 =	vsel vm9, $0x1, v0  }
0x16: {  	v8 =	vsel vm10, $0x1, v0;
	v9 =	vsel vm11, $0x1, v0;
	v10 =	vsel vm12, $0x1, v0  }
0x17: {  	v12 =	vsel vm13, $0x1, v0;
	vm7 =	vgt.u32 v13, $0x7CF;
	vm8 =	vgt.u32 v13, $0x9C3  }
0x18: {  	vm9 =	vgt.u32 v13, $0xBB7;
	vm10 =	vgt.u32 v13, $0xDAB;
	vm11 =	vgt.u32 v6, $0x1F3  }
0x19: {  	vm12 =	vgt.u32 v6, $0x5DB;
	vm13 =	vgt.u32 v6, $0x7CF;
	v60 =	vor.u32 $0x80, v1  }
0x1a: {  	v4 =	vadd.s32 v62, v61;
	v2 =	vmul.u32 $0x140000, v2;
	v18 =	vsel vm7, $0x1, v0  }
0x1b: {  	v19 =	vsel vm8, $0x1, v0;
	v20 =	vsel vm9, $0x1, v0;
	v22 =	vsel vm10, $0x1, v0  }
0x1c: {  	v23 =	vsel vm11, $0x1, v0;
	v24 =	vsel vm12, $0x1, v0;
	v25 =	vsel vm13, $0x1, v0  }
0x1d: {  	vm8 =	vgt.u32 v6, $0xDAB;
	v6 =	vor.u32 s2, v28;
	v62 =	vadd.s32 s2, v60  }
0x1e: {  	v60 =	vor.u32 $0xE0, v1;
	v4 =	vadd.s32 v63, v4;
	v5 =	vadd.s32 v7, v23  }
0x1f: {  	v29 =	vsel vm8, $0x1, v0;
	vm9 =	vgt.u32 v6, $0x1F3;
	vm5 =	vgt.u32 v6, $0x3E7  }
0x20: {  	vm10 =	vgt.u32 v6, $0x5DB;
	vm11 =	vgt.u32 v6, $0x7CF;
	vm12 =	vgt.u32 v6, $0x9C3  }
0x21: {  	vm4 =	vlt.u32 v6, s1;
	vm13 =	vgt.u32 v6, $0xBB7;
	vm14 =	vgt.u32 v6, $0xDAB  }
0x22: {  	vm8 =	vgt.u32 v52, $0x1F3;
	v4 =	vadd.s32 v8, v4;
	v5 =	vadd.s32 v24, v5  }
0x23: {  	v30 =	vsel vm9, $0x1, v0;
	v8 =	vsel vm5, $0x1, v0;
	v31 =	vsel vm10, $0x1, v0  }
0x24: {  	v32 =	vsel vm11, $0x1, v0;
	v33 =	vsel vm12, $0x1, v0;
	v34 =	vsel vm13, $0x1, v0  }
0x25: {  	v36 =	vsel vm14, $0x1, v0;
	v53 =	vsel vm8, $0x1, v0;
	vm8 =	vlt.u32 v62, s1  }
0x26: {  	v4 =	vadd.s32 v9, v4;
	v5 =	vadd.s32 v25, v5;
	v7 =	vadd.s32 v8, v30  }
0x27: {  	v9 =	vor.u32 s2, v35;
	v4 =	vadd.s32 v10, v4;
	v5 =	vadd.s32 v26, v5  }
0x28: {  	v7 =	vadd.s32 v31, v7;
	vm15 =	vgt.u32 v9, $0x1F3;
	vm6 =	vgt.u32 v9, $0x3E7  }
0x29: {  	vm9 =	vgt.u32 v9, $0x5DB;
	vm10 =	vgt.u32 v9, $0x7CF;
	vm11 =	vgt.u32 v9, $0x9C3  }
0x2a: {  	vm5 =	vlt.u32 v9, s1;
	vm12 =	vgt.u32 v9, $0xBB7;
	vm13 =	vgt.u32 v9, $0xDAB  }
0x2b: {  	v10 =	vadd.s32 s2, v44;
	v14 =	vadd.s32 v12, v4;
	v4 =	vadd.s32 v16, v15  }
0x2c: {  	v5 =	vadd.s32 v27, v5;
	v7 =	vadd.s32 v32, v7;
	v38 =	vsel vm15, $0x1, v0  }
0x2d: {  	v39 =	vsel vm6, $0x1, v0;
	v40 =	vsel vm9, $0x1, v0;
	v41 =	vsel vm10, $0x1, v0  }
0x2e: {  	v42 =	vsel vm11, $0x1, v0;
	v43 =	vsel vm12, $0x1, v0;
	v45 =	vsel vm13, $0x1, v0  }
0x2f: {  	vm14 =	vgt.u32 v10, $0x1F3;
	vm7 =	vgt.u32 v10, $0x3E7;
	vm15 =	vgt.u32 v10, $0x5DB  }
0x30: {  	vm9 =	vgt.u32 v10, $0x7CF;
	vm10 =	vgt.u32 v10, $0x9C3;
	vm11 =	vgt.u32 v10, $0xBB7  }
0x31: {  	vm6 =	vlt.u32 v10, s1;
	vm12 =	vgt.u32 v10, $0xDAB;
	vm13 =	vgt.u32 v52, $0x5DB  }
0x32: {  	v4 =	vadd.s32 v17, v4;
	v3 =	vmul.u32 $0x140000, v14;
	v5 =	vadd.s32 v29, v5  }
0x33: {  	v7 =	vadd.s32 v33, v7;
	v46 =	vsel vm14, $0x1, v0;
	v47 =	vsel vm7, $0x1, v0  }
0x34: {  	v48 =	vsel vm15, $0x1, v0;
	v49 =	vsel vm9, $0x1, v0;
	v50 =	vsel vm10, $0x1, v0  }
0x35: {  	v51 =	vsel vm11, $0x1, v0;
	vm9 =	vgt.u32 v52, $0x3E7;
	v55 =	vsel vm13, $0x1, v0  }
0x36: {  	vm14 =	vgt.u32 v52, $0x7CF;
	vm15 =	vgt.u32 v52, $0x9C3;
	v12 =	vsel vm12, $0x1, v0  }
0x37: {  	vm10 =	vgt.u32 v52, $0xBB7;
	vm11 =	vgt.u32 v52, $0xDAB;
	vm7 =	vlt.u32 v52, s1  }
0x38: {  	vm12 =	vgt.u32 v62, $0x1F3;
	vm13 =	vgt.u32 v62, $0x3E7;
	v52 =	vor.u32 $0xA0, v1  }
0x39: {  	v4 =	vadd.s32 v18, v4;
	v5 =	vmul.u32 $0x140000, v5;
	v7 =	vadd.s32 v34, v7  }
0x3a: {  	v54 =	vsel vm9, $0x1, v0;
	v56 =	vsel vm14, $0x1, v0;
	v57 =	vsel vm15, $0x1, v0  }
0x3b: {  	v59 =	vsel vm10, $0x1, v0;
	v61 =	vsel vm11, $0x1, v0;
	v63 =	vsel vm12, $0x1, v0  }
0x3c: {  	vm14 =	vgt.u32 v62, $0x5DB;
	v16 =	vsel vm13, $0x1, v0;
	vm15 =	vgt.u32 v62, $0x7CF  }
0x3d: {  	vm12 =	vgt.u32 v62, $0x9C3;
	vm13 =	vgt.u32 v62, $0xBB7;
	v8 =	vadd.s32 s2, v52  }
0x3e: {  	v4 =	vadd.s32 v19, v4;
	v37 =	vadd.s32 v36, v7;
	v7 =	vadd.s32 v39, v38  }
0x3f: {  	v10 =	vadd.s32 v54, v53;
	v17 =	vsel vm14, $0x1, v0;
	v18 =	vsel vm15, $0x1, v0  }
0x40: {  	v19 =	vsel vm12, $0x1, v0;
	v21 =	vsel vm13, $0x1, v0;
	vm14 =	vgt.u32 v62, $0xDAB  }
0x41: {  	v53 =	vor.u32 $0xB0, v1;
	v54 =	vor.u32 $0xC0, v1;
	vm10 =	vlt.u32 v8, s1  }
0x42: {  	v4 =	vadd.s32 v20, v4;
	v7 =	vadd.s32 v40, v7;
	v6 =	vmul.u32 $0x140000, v37  }
0x43: {  	v10 =	vadd.s32 v55, v10;
	v23 =	vsel vm14, $0x1, v0;
	v11 =	vadd.s32 s2, v53  }
0x44: {  	v13 =	vadd.s32 s2, v54;
	v4 =	vadd.s32 v22, v4;
	v7 =	vadd.s32 v41, v7  }
0x45: {  	v10 =	vadd.s32 v56, v10;
	vm11 =	vlt.u32 v11, s1;
	v7 =	vadd.s32 v42, v7  }
0x46: {  	v58 =	vadd.s32 v57, v10;
	v10 =	vadd.s32 v16, v63;
	v7 =	vadd.s32 v43, v7  }
0x47: {  	v10 =	vadd.s32 v17, v10;
	v9 =	vadd.s32 v45, v7;
	v7 =	vadd.s32 v47, v46  }
0x48: {  	v4 =	vmul.u32 $0x140000, v4;
	v10 =	vadd.s32 v18, v10;
	v7 =	vadd.s32 v48, v7  }
0x49: {  	v57 =	vor.u32 $0xD0, v1;
	v10 =	vadd.s32 v19, v10;
	v7 =	vadd.s32 v49, v7  }
0x4a: {  	v9 =	vmul.u32 $0x140000, v9;
	v56 =	vadd.s32 v21, v10;
	v7 =	vadd.s32 v50, v7  }
0x4b: {  	v10 =	vadd.s32 s2, v57;
	v45 =	vadd.s32 v23, v56;
	v7 =	vadd.s32 v51, v7  }
0x4c: {  	v51 =	vor.u32 $0x90, v1;
	v1 =	vor.u32 $0xF0, v1;
	v45 =	vmul.u32 $0x140000, v45  }
0x4d: {  	v14 =	vadd.s32 v12, v7;
	v7 =	vadd.s32 v59, v58;
	v1 =	vadd.s32 s2, v1  }
0x4e: {  	v15 =	vadd.s32 v61, v7;
	v7 =	vadd.s32 s2, v51;
	v14 =	vmul.u32 $0x140000, v14  }
0x4f: {  	vm15 =	vgt.u32 v7, $0x1F3;
	vm12 =	vgt.u32 v7, $0x3E7;
	vm13 =	vgt.u32 v7, $0x5DB  }
0x50: {  	s5 =	rddreg [dreg:$0x0];
	vm14 =	vgt.u32 v7, $0x7CF;
	v15 =	vmul.u32 $0x140000, v15;
	vm9 =	vlt.u32 v7, s1  }
0x51: {  	s6 =	rddreg [dreg:$0x1];
	v26 =	vsel vm15, $0x1, v0;
	v28 =	vsel vm12, $0x1, v0;
	v29 =	vsel vm13, $0x1, v0  }
0x52: {  	s3 =	rddreg [dreg:$0x2];
	s4 =	simm.s32 $0x0;
	s7 =	sshrl.u32 s2, $0x3;
	v30 =	vsel vm14, $0x1, v0;
	vm15 =	vgt.u32 v7, $0x9C3;
	vm12 =	vgt.u32 v7, $0xBB7  }
0x53: {  	[smem:$0x7FF] =	sst s4;
	s9 =	sadd.s32 s7, s6;
	vm13 =	vgt.u32 v7, $0xDAB;
	vm14 =	vgt.u32 v8, $0x1F3;
	v31 =	vsel vm15, $0x1, v0  }
0x54: {  	s23 =	simm.s32 $0x2;
	_ =	strace $0x80000047;
	s7 =	sadd.s32 $0xC00, s9;
	v34 =	vsel vm12, $0x1, v0;
	v35 =	vsel vm13, $0x1, v0;
	vm15 =	vgt.u32 v8, $0x3E7  }
0x55: {  	[tilespmem:s4], [sflag:$0x2] =	stream.linear.gather [hbm4b:s7+s4], $0x100, $0x38;
	v36 =	vsel vm14, $0x1, v0;
	vm12 =	vgt.u32 v8, $0x5DB;
	vm13 =	vgt.u32 v8, $0x7CF;
	[tilespmem:$0x600] =	vst v63  }
0x56: {  	_ =	swait.ge [sflag:s23], $0x100;
	vm14 =	vgt.u32 v8, $0x9C3;
	v38 =	vsel vm12, $0x1, v0;
	vm12 =	vgt.u32 v8, $0xDAB  }
0x57: {  	[sflag:s23] =	ssyncset.done $0x0;
	v58 =	vadd.s32 v28, v26;
	v20 =	vsel vm12, $0x1, v0;
	vm12 =	vgt.u32 v11, $0x7CF  }
0x58: {  	s8 =	simm.s32 $0x100;
	s10 =	sadd.s32 $0xDF4, s9;
	[sflag:s23] =	ssyncadd.s32 $0xFFFFFF00;
	v37 =	vsel vm15, $0x1, v0;
	v48 =	vsel vm12, $0x1, v0;
	vm12 =	vgt.u32 v13, $0x1F3  }
0x59: {  	[tilespmem:s8], [sflag:$0x2] =	stream.linear.gather [hbm4b:s10+s4], $0x100, $0x38;
	v41 =	vsel vm13, $0x1, v0;
	v42 =	vsel vm14, $0x1, v0;
	v55 =	vsel vm12, $0x1, v0;
	[tilespmem:$0x600] =	vst v63  }
0x5a: {  	vm15 =	vgt.u32 v8, $0xBB7;
	vm13 =	vgt.u32 v11, $0x1F3;
	vm14 =	vgt.u32 v11, $0x3E7;
	[tilespmem:$0x1FFF0] =	vst v55  }
0x5b: {  	v12 =	vadd.s32 v29, v58;
	v43 =	vsel vm15, $0x1, v0;
	v44 =	vsel vm13, $0x1, v0;
	_ =	swait.ge [sflag:s23], $0x100  }
0x5c: {  	vm15 =	vgt.u32 v11, $0x5DB;
	v46 =	vsel vm14, $0x1, v0;
	vm13 =	vgt.u32 v11, $0x9C3;
	[sflag:s23] =	ssyncset.done $0x0  }
0x5d: {  	s24 =	simm.s32 $0x200;
	s9 =	sadd.s32 $0xFE8, s9;
	vm14 =	vgt.u32 v11, $0xBB7;
	v12 =	vadd.s32 v30, v12;
	v61 =	vadd.s32 v37, v36;
	[sflag:s23] =	ssyncadd.s32 $0xFFFFFF00  }
0x5e: {  	v47 =	vsel vm15, $0x1, v0;
	v27 =	vsel vm13, $0x1, v0;
	v24 =	vsel vm14, $0x1, v0;
	[tilespmem:s24], [sflag:$0x2] =	stream.linear.gather [hbm4b:s9+s4], $0x100, $0x38;
	[tilespmem:$0x600] =	vst v63  }
0x5f: {  	vm15 =	vgt.u32 v11, $0xDAB;
	vm13 =	vgt.u32 v13, $0x3E7;
	vm14 =	vgt.u32 v13, $0x5DB;
	_ =	swait.ge [sflag:s23], $0x100  }
0x60: {  	v59 =	vadd.s32 v31, v12;
	v12 =	vadd.s32 s2, v60;
	v62 =	vadd.s32 v46, v44;
	[sflag:s23] =	ssyncset.done $0x0  }
0x61: {  	v25 =	vsel vm15, $0x1, v0;
	v17 =	vsel vm13, $0x1, v0;
	v22 =	vsel vm14, $0x1, v0;
	[sflag:s23] =	ssyncadd.s32 $0xFFFFFF00  }
0x62: {  	vm15 =	vgt.u32 v13, $0x7CF;
	vm12 =	vgt.u32 v13, $0x9C3;
	vm13 =	vgt.u32 v13, $0xBB7;
	v49 =	vld [tilespmem:$0x0]  }
0x63: {  	vm14 =	vgt.u32 v13, $0xDAB;
	v34 =	vadd.s32 v34, v59;
	v44 =	vadd.s32 v47, v62;
	v50 =	vld [tilespmem:$0x100]  }
0x64: {  	v21 =	vsel vm15, $0x1, v0;
	v18 =	vsel vm12, $0x1, v0;
	v19 =	vsel vm13, $0x1, v0;
	v51 =	vld [tilespmem:$0x200]  }
0x65: {  	v23 =	vsel vm14, $0x1, v0;
	vm15 =	vgt.u32 v10, $0x1F3;
	vm12 =	vgt.u32 v10, $0x3E7;
	v52 =	vld [tilespmem:$0x10]  }
0x66: {  	vm13 =	vgt.u32 v10, $0x5DB;
	vm14 =	vgt.u32 v10, $0x7CF;
	v53 =	vadd.s32 v35, v34;
	v54 =	vld [tilespmem:$0x110]  }
0x67: {  	v35 =	vadd.s32 v38, v61;
	v48 =	vadd.s32 v48, v44;
	v28 =	vsel vm15, $0x1, v0;
	v55 =	vld [tilespmem:$0x210]  }
0x68: {  	v32 =	vsel vm12, $0x1, v0;
	v33 =	vsel vm13, $0x1, v0;
	v31 =	vsel vm14, $0x1, v0;
	v56 =	vld [tilespmem:$0x20]  }
0x69: {  	vm15 =	vgt.u32 v10, $0x9C3;
	vm12 =	vgt.u32 v10, $0xBB7;
	vm13 =	vgt.u32 v10, $0xDAB;
	v57 =	vld [tilespmem:$0x120]  }
0x6a: {  	vm14 =	vgt.u32 v12, $0x1F3;
	v35 =	vadd.s32 v41, v35;
	v27 =	vadd.s32 v27, v48;
	v58 =	vld [tilespmem:$0x220]  }
0x6b: {  	v29 =	vsel vm15, $0x1, v0;
	v30 =	vsel vm12, $0x1, v0;
	v26 =	vsel vm13, $0x1, v0;
	v59 =	vld [tilespmem:$0x30]  }
0x6c: {  	v34 =	vsel vm14, $0x1, v0;
	vm15 =	vgt.u32 v12, $0x3E7;
	vm12 =	vgt.u32 v12, $0x5DB;
	v61 =	vld [tilespmem:$0x130]  }
0x6d: {  	vm13 =	vgt.u32 v12, $0x7CF;
	vm14 =	vgt.u32 v12, $0x9C3;
	v60 =	vadd.s32 v42, v35;
	v46 =	vld [tilespmem:$0x230]  }
0x6e: {  	v28 =	vadd.s32 v32, v28;
	v40 =	vsel vm15, $0x1, v0;
	v38 =	vsel vm13, $0x1, v0;
	v47 =	vld [tilespmem:$0x40]  }
0x6f: {  	v36 =	vsel vm14, $0x1, v0;
	vm13 =	vgt.u32 v1, $0x1F3;
	vm14 =	vgt.u32 v1, $0x3E7;
	v62 =	vld [tilespmem:$0x140]  }
0x70: {  	v39 =	vsel vm12, $0x1, v0;
	v41 =	vsel vm13, $0x1, v0;
	v42 =	vsel vm14, $0x1, v0;
	v48 =	vld [tilespmem:$0x2A0]  }
0x71: {  	vm15 =	vgt.u32 v12, $0xBB7;
	vm12 =	vgt.u32 v12, $0xDAB;
	v41 =	vadd.s32 v42, v41;
	v42 =	vld [tilespmem:$0x1D0]  }
0x72: {  	v60 =	vadd.s32 v43, v60;
	v37 =	vsel vm15, $0x1, v0;
	v63 =	vshll.u32 v50, $0xE;
	v50 =	vld [tilespmem:$0x240]  }
0x73: {  	v35 =	vsel vm12, $0x1, v0;
	vm15 =	vgt.u32 v1, $0x5DB;
	v3 =	vadd.s32 v3, v52;
	v52 =	vld [tilespmem:$0x150]  }
0x74: {  	vm12 =	vgt.u32 v1, $0x7CF;
	vm13 =	vgt.u32 v1, $0x9C3;
	v4 =	vadd.s32 v4, v56;
	v56 =	vld [tilespmem:$0x250]  }
0x75: {  	vm14 =	vgt.u32 v1, $0xBB7;
	v20 =	vadd.s32 v20, v60;
	v5 =	vadd.s32 v5, v59;
	v59 =	vld [tilespmem:$0x160]  }
0x76: {  	v60 =	vmul.u32 $0x140000, v53;
	v43 =	vsel vm15, $0x1, v0;
	v6 =	vadd.s32 v6, v47;
	v47 =	vld [tilespmem:$0x70]  }
0x77: {  	v16 =	vsel vm12, $0x1, v0;
	v49 =	vadd.s32 v2, v49;
	v8 =	vsel vm10, $0x0, v48;
	v48 =	vld [tilespmem:$0x1E0]  }
0x78: {  	v44 =	vsel vm13, $0x1, v0;
	v57 =	vshll.u32 v57, $0xE;
	v49 =	vadd.s32 v63, v49;
	v63 =	vld [tilespmem:$0x50]  }
0x79: {  	vm15 =	vgt.u32 v1, $0xDAB;
	v61 =	vshll.u32 v61, $0xE;
	v4 =	vadd.s32 v57, v4;
	v57 =	vld [tilespmem:$0x60]  }
0x7a: {  	v54 =	vshll.u32 v54, $0xE;
	v2 =	vsel vm15, $0x1, v0;
	v5 =	vadd.s32 v61, v5;
	v61 =	vld [tilespmem:$0x260]  }
0x7b: {  	v51 =	vsel vm0, $0x0, v51;
	v54 =	vadd.s32 v54, v3;
	v3 =	vsel vm14, $0x1, v0;
	v0 =	vld [tilespmem:$0x170]  }
0x7c: {  	v20 =	vmul.u32 $0x140000, v20;
	vm12 =	vlt.u32 v13, s1;
	v55 =	vsel vm1, $0x0, v55;
	[tilespmem:$0x400] =	vst v51;
	v51 =	vld [tilespmem:$0xA0]  }
0x7d: {  	vm13 =	vlt.u32 v10, s1;
	v62 =	vshll.u32 v62, $0xE;
	v58 =	vsel vm2, $0x0, v58;
	[tilespmem:$0x410] =	vst v55;
	v55 =	vld [tilespmem:$0x1B0]  }
0x7e: {  	v46 =	vsel vm3, $0x0, v46;
	vm15 =	vlt.u32 v1, s1;
	v15 =	vadd.s32 v15, v47;
	v47 =	vld [tilespmem:$0x90]  }
0x7f: {  	v6 =	vadd.s32 v62, v6;
	vm14 =	vlt.u32 v12, s1;
	v9 =	vadd.s32 v9, v63;
	v63 =	vld [tilespmem:$0x270]  }
0x80: {  	v49 =	vsel vm0, $0x0, v49;
	v54 =	vsel vm1, $0x0, v54;
	v14 =	vadd.s32 v14, v57;
	v57 =	vld [tilespmem:$0x180]  }
0x81: {  	[tilespmem:$0x420] =	vst v58;
	v4 =	vsel vm2, $0x0, v4;
	v52 =	vshll.u32 v52, $0xE;
	v62 =	vshll.u32 v0, $0xE;
	v0 =	vld [tilespmem:$0x190]  }
0x82: {  	[tilespmem:$0x430] =	vst v46;
	v5 =	vsel vm3, $0x0, v5;
	v59 =	vshll.u32 v59, $0xE;
	v9 =	vadd.s32 v52, v9;
	v52 =	vld [tilespmem:$0x80]  }
0x83: {  	v6 =	vsel vm4, $0x0, v6;
	[tilespmem:$0x300] =	vst v49;
	v50 =	vsel vm4, $0x0, v50;
	v14 =	vadd.s32 v59, v14;
	v59 =	vld [tilespmem:$0x280]  }
0x84: {  	[tilespmem:$0x310] =	vst v54;
	v54 =	vld [tilespmem:$0xB0];
	v49 =	vsel vm5, $0x0, v56;
	v61 =	vsel vm6, $0x0, v61;
	v58 =	vadd.s32 v20, v51  }
0x85: {  	[tilespmem:$0x4A0] =	vst v8;
	v56 =	vld [tilespmem:$0x290];
	v15 =	vadd.s32 v62, v15;
	v9 =	vsel vm5, $0x0, v9;
	v14 =	vsel vm6, $0x0, v14  }
0x86: {  	[tilespmem:$0x320] =	vst v4;
	v62 =	vsel vm7, $0x0, v63;
	v63 =	vadd.s32 v24, v27;
	v24 =	vshll.u32 v55, $0xE;
	v55 =	vld [tilespmem:$0x2E0]  }
0x87: {  	[tilespmem:$0x330] =	vst v5;
	v4 =	vadd.s32 v60, v47;
	v57 =	vshll.u32 v57, $0xE;
	v45 =	vadd.s32 v45, v52;
	v52 =	vld [tilespmem:$0x1A0]  }
0x88: {  	[tilespmem:$0x340] =	vst v6;
	v0 =	vshll.u32 v0, $0xE;
	v53 =	vsel vm8, $0x0, v59;
	v7 =	vadd.s32 v25, v63;
	v25 =	vld [tilespmem:$0x1FFF0]  }
0x89: {  	[tilespmem:$0x440] =	vst v50;
	v0 =	vadd.s32 v0, v4;
	v59 =	vld [tilespmem:$0x2B0];
	v45 =	vadd.s32 v57, v45;
	v57 =	vmul.u32 $0x140000, v7  }
0x8a: {  	[tilespmem:$0x450] =	vst v49;
	v15 =	vsel vm7, $0x0, v15;
	v60 =	vsel vm9, $0x0, v56;
	v0 =	vsel vm9, $0x0, v0  }
0x8b: {  	[tilespmem:$0x460] =	vst v61;
	v45 =	vsel vm8, $0x0, v45;
	v4 =	vadd.s32 v57, v54;
	v54 =	vshll.u32 v42, $0xE  }
0x8c: {  	[tilespmem:$0x470] =	vst v62;
	v57 =	vshll.u32 v48, $0xE;
	v4 =	vadd.s32 v24, v4;
	v62 =	vsel vm14, $0x0, v55  }
0x8d: {  	[tilespmem:$0x380] =	vst v45;
	v45 =	vld [tilespmem:$0x2D0];
	v63 =	vshll.u32 v52, $0xE;
	v11 =	vadd.s32 v17, v25;
	v4 =	vsel vm11, $0x0, v4  }
0x8e: {  	[tilespmem:$0x350] =	vst v9;
	v7 =	vsel vm11, $0x0, v59;
	v5 =	vadd.s32 v63, v58;
	v27 =	vadd.s32 v22, v11  }
0x8f: {  	v32 =	vld [tilespmem:$0xC0];
	[tilespmem:$0x360] =	vst v14;
	v11 =	vadd.s32 v33, v28;
	v33 =	vadd.s32 v40, v34;
	v5 =	vsel vm10, $0x0, v5  }
0x90: {  	[tilespmem:$0x370] =	vst v15;
	v52 =	vld [tilespmem:$0x1F0];
	v9 =	vadd.s32 v21, v27;
	v11 =	vadd.s32 v31, v11;
	v14 =	vadd.s32 v39, v33  }
0x91: {  	[tilespmem:$0x490] =	vst v60;
	v34 =	vld [tilespmem:$0x1C0];
	v9 =	vadd.s32 v18, v9;
	v11 =	vadd.s32 v29, v11;
	v14 =	vadd.s32 v38, v14  }
0x92: {  	[tilespmem:$0x390] =	vst v0;
	v58 =	vld [tilespmem:$0x2F0];
	v0 =	vsel vm13, $0x0, v45;
	v9 =	vadd.s32 v19, v9;
	v11 =	vadd.s32 v30, v11  }
0x93: {  	[tilespmem:$0x480] =	vst v53;
	v39 =	vld [tilespmem:$0x2C0];
	v14 =	vadd.s32 v36, v14;
	v19 =	vadd.s32 v43, v41;
	v9 =	vadd.s32 v23, v9  }
0x94: {  	[tilespmem:$0x4E0] =	vst v62;
	v40 =	vld [tilespmem:$0xD0];
	v14 =	vadd.s32 v37, v14;
	v11 =	vadd.s32 v26, v11;
	v16 =	vadd.s32 v16, v19  }
0x95: {  	v46 =	vld [tilespmem:$0xE0];
	[tilespmem:$0x3B0] =	vst v4;
	v61 =	vshll.u32 v52, $0xE;
	v9 =	vmul.u32 $0x140000, v9;
	v14 =	vadd.s32 v35, v14  }
0x96: {  	v49 =	vld [tilespmem:$0xF0];
	[tilespmem:$0x4B0] =	vst v7;
	v16 =	vadd.s32 v44, v16;
	v47 =	vshll.u32 v34, $0xE;
	v11 =	vmul.u32 $0x140000, v11  }
0x97: {  	[tilespmem:$0x3A0] =	vst v5;
	v1 =	vsel vm15, $0x0, v58;
	v3 =	vadd.s32 v3, v16;
	v50 =	vmul.u32 $0x140000, v14  }
0x98: {  	[tilespmem:$0x4D0] =	vst v0;
	v53 =	vsel vm12, $0x0, v39;
	v9 =	vadd.s32 v9, v32;
	v2 =	vadd.s32 v2, v3  }
0x99: {  	[tilespmem:$0x4F0] =	vst v1;
	v11 =	vadd.s32 v11, v40;
	v5 =	vadd.s32 v47, v9;
	v2 =	vmul.u32 $0x140000, v2  }
0x9a: {  	[tilespmem:$0x4C0] =	vst v53;
	v56 =	vadd.s32 v54, v11;
	v6 =	vadd.s32 v50, v46;
	v51 =	vsel vm12, $0x0, v5  }
0x9b: {  	v3 =	vsel vm13, $0x0, v56;
	v59 =	vadd.s32 v57, v6;
	[tilespmem:$0x3C0] =	vst v51;
	v2 =	vadd.s32 v2, v49  }
0x9c: {  	[tilespmem:$0x3D0] =	vst v3;
	v60 =	vsel vm14, $0x0, v59;
	v63 =	vadd.s32 v61, v2  }
0x9d: {  	[tilespmem:$0x3E0] =	vst v60;
	v0 =	vsel vm15, $0x0, v63  }
0x9e: {  	s25 =	simm.s32 $0x300;
	s26 =	simm.s32 $0x500;
	s28 =	simm.s32 $0x1;
	[tilespmem:$0x3F0] =	vst v0  }
0x9f: {  	[tilespmem:s26], [sflag:$0x1] =	stream.indirect.gather [hbm4b:s5+s8], $0x1, s25, s8, $0xb8;
	[tilespmem:$0x600] =	vst v63  }
0xa0: {  	s29 =	sshll.u32 s0, $0x5;
	_ =	swait.ge [sflag:s28], $0x100  }
0xa1: {  	s5 =	sadd.s32 s29, s6;
	[sflag:s28] =	ssyncset.done $0x0  }
0xa2: {  	s6 =	sadd.s32 $0x1200, s5;
	[sflag:s28] =	ssyncadd.s32 $0xFFFFFF00  }
0xa3: {  	[hbm4b:s6+s4] =	stream.linear.scatter [tilespmem:s26], [sflag:$0x2], $0x100, $0x38;
	[tilespmem:$0x600] =	vst v63  }
0xa4: {  	_ =	swait.ge [sflag:s23], $0x100  }
0xa5: {  	[sflag:s23] =	ssyncset.done $0x0  }
0xa6: {  	s31 =	simm.s32 $0x400;
	s30 =	sadd.s32 $0x1400, s5;
	[sflag:s23] =	ssyncadd.s32 $0xFFFFFF00  }
0xa7: {  	[hbm4b:s30+s4] =	stream.linear.scatter [tilespmem:s31], [sflag:$0x2], $0x100, $0x38;
	[tilespmem:$0x600] =	vst v63  }
0xa8: {  	_ =	swait.ge [sflag:s23], $0x100  }
0xa9: {  	[sflag:s23] =	ssyncset.done $0x0  }
0xaa: {  	[sflag:s23] =	ssyncadd.s32 $0xFFFFFF00  }
0xab: {  	_ =	sfence.sel $0x180000  }
0xac: {  	[bflag:$0x0] =	sbarrier.arrive $0xFFFF  }
0xad: {  	p0 =	sne.s32 s0, $0x0;
	_ =	strace $0x90000047  }
0xae: {  	s0 =	sadd.s32 @!p0 $0x100000, s3;
	[bflag:$0x2] =	sbarrier.arrive $0xFFFF  }
0xaf: {  	[sflag:s0] =	ssyncadd.tile.s32 @!p0 $0x1;
	_ =	shalt  }
.Lfunc_end2:
_tile_overlayer_lowered:
.L_overlay_start_2:
0xb0: {  	(tag) =	ssettag $0x2  }
0xb1: {  	s0 =	rddreg [dreg:$0x0];
	s2 =	stileid.u32  }
0xb2: {  	s1 =	rddreg [dreg:$0x1];
	p0 =	sne.s32 s2, $0x0  }
0xb3: {  	s3 =	rddreg [dreg:$0x2];
	[bflag:$0x3] =	sbarrier.arrive $0xFFFF;
	s2 =	simm.s32 @!p0 $0x1C02  }
0xb4: {  	[timem:s3], [sflag:s2] =	dma.local @!p0 [hbm:s0], s1  }
0xb5: {  	s0 =	simm.s32 @!p0 $0x2  }
0xb6: {  	_ =	swait.ge @!p0 [sflag:s0], s1  }
0xb7: {  	s1 =	ssub.s32 @!p0 $0x0, s1;
	[sflag:s0] =	ssyncset.done @!p0 $0x0  }
0xb8: {  	[sflag:s0] =	ssyncadd.s32 @!p0 s1  }
0xb9: {  	[bflag:$0x3] =	sbarrier.arrive $0xFFFF  }
0xba: {  	_ =	shalt  }

</sc_bundles>
